<compile_context>
chip_gen: v7x
topology: tpu7x:2x2x1
jax: 0.10.2.dev20260603
libtpu: 0.0.44.dev20260713+nightly
codegen_flags: <defaults>
</compile_context>

<pallas_src>
import jax
import jax.numpy as jnp
from jax import lax
from jax.experimental import pallas as pl
from jax.experimental.pallas import tpu as pltpu
from jax.experimental.pallas import tpu_sc as plsc

T = 8192
D = 2048
E = 16
TOP_K = 2

CHUNK = 512
NCHUNK = T // CHUNK
NBUF = 4

NC = 2
NS = 16
NW = NC * NS
TPW = T // NW
LANES = 16


def _gate_matmul_body(x_hbm, w_ref, o_ref, xbuf, sems):
    def issue(c, buf):
        pltpu.make_async_copy(
            x_hbm.at[pl.ds(c * CHUNK, CHUNK), :], xbuf.at[buf], sems.at[buf]
        ).start()

    for c in range(NBUF):
        issue(c, c)

    def outer(o, carry):
        for b in range(NBUF):
            c = o * NBUF + b
            pltpu.make_async_copy(
                x_hbm.at[pl.ds(c * CHUNK, CHUNK), :], xbuf.at[b], sems.at[b]
            ).wait()
            st = lax.dot_general(
                w_ref[...], xbuf[b],
                (((1,), (1,)), ((), ())),
                preferred_element_type=jnp.float32,
            )
            for i in range(CHUNK // TPW):
                o_ref[pl.ds(c * (CHUNK // TPW) + i, 1)] = (
                    st[:, i * TPW:(i + 1) * TPW].reshape(1, E, TPW))

            @pl.when(c + NBUF < NCHUNK)
            def _():
                issue(c + NBUF, b)

        return carry

    lax.fori_loop(0, NCHUNK // NBUF, outer, 0, unroll=False)


def _gate_matmul(x, w):
    return pl.pallas_call(
        _gate_matmul_body,
        in_specs=[
            pl.BlockSpec(memory_space=pl.ANY),
            pl.BlockSpec(memory_space=pltpu.VMEM),
        ],
        out_specs=pl.BlockSpec(memory_space=pltpu.VMEM),
        out_shape=jax.ShapeDtypeStruct((NW, E, TPW), jnp.float32),
        compiler_params=pltpu.CompilerParams(skip_device_barrier=True),
        scratch_shapes=[
            pltpu.VMEM((NBUF, CHUNK, D), jnp.float32),
            pltpu.SemaphoreType.DMA((NBUF,)),
        ],
    )(x, w)


def _router_body(scores_hbm, b_hbm, oi1, oi2, ov1, ov2,
                 s_v, b_v, i1_v, i2_v, v1_v, v2_v):
    wid = lax.axis_index("s") * NC + lax.axis_index("c")
    base = wid * TPW
    pltpu.sync_copy(scores_hbm.at[wid], s_v)
    pltpu.sync_copy(b_hbm, b_v)

    b_full = b_v[...]
    b_sc = [b_full[e] for e in range(E)]
    neg_inf = jnp.full((LANES,), -jnp.inf, jnp.float32)

    def group(g, carry):
        sl = pl.ds(g * LANES, LANES)
        s_list = [s_v[e, sl] + b_sc[e] for e in range(E)]

        m1 = s_list[0]
        i1 = jnp.zeros((LANES,), jnp.int32)
        for e in range(1, E):
            gt = s_list[e] > m1
            i1 = jnp.where(gt, jnp.full((LANES,), e, jnp.int32), i1)
            m1 = jnp.where(gt, s_list[e], m1)
        m2 = neg_inf
        i2 = jnp.zeros((LANES,), jnp.int32)
        for e in range(E):
            cand = jnp.where(i1 == e, neg_inf, s_list[e])
            gt = cand > m2
            i2 = jnp.where(gt, jnp.full((LANES,), e, jnp.int32), i2)
            m2 = jnp.where(gt, cand, m2)

        sumexp = jnp.exp(s_list[0] - m1)
        for e in range(1, E):
            sumexp = sumexp + jnp.exp(s_list[e] - m1)
        i1_v[sl] = i1
        i2_v[sl] = i2
        v1_v[sl] = jnp.full((LANES,), 1.0, jnp.float32) / sumexp
        v2_v[sl] = jnp.exp(m2 - m1) / sumexp
        return carry

    lax.fori_loop(0, TPW // LANES, group, 0, unroll=False)

    out_sl = pl.ds(base, TPW)
    pltpu.sync_copy(i1_v, oi1.at[out_sl])
    pltpu.sync_copy(i2_v, oi2.at[out_sl])
    pltpu.sync_copy(v1_v, ov1.at[out_sl])
    pltpu.sync_copy(v2_v, ov2.at[out_sl])


def _router(scores, b):
    run = pl.kernel(
        _router_body,
        out_type=[
            jax.ShapeDtypeStruct((T,), jnp.int32),
            jax.ShapeDtypeStruct((T,), jnp.int32),
            jax.ShapeDtypeStruct((T,), jnp.float32),
            jax.ShapeDtypeStruct((T,), jnp.float32),
        ],
        mesh=plsc.VectorSubcoreMesh(core_axis_name="c", subcore_axis_name="s"),
        compiler_params=pltpu.CompilerParams(
            needs_layout_passes=False,
            skip_device_barrier=True,
        ),
        scratch_types=[
            pltpu.VMEM((E, TPW), jnp.float32),
            pltpu.VMEM((E,), jnp.float32),
            pltpu.VMEM((TPW,), jnp.int32),
            pltpu.VMEM((TPW,), jnp.int32),
            pltpu.VMEM((TPW,), jnp.float32),
            pltpu.VMEM((TPW,), jnp.float32),
        ],
    )
    return run(scores, b)


def kernel(x, W, b):
    scores_t = _gate_matmul(x, W)
    i1, i2, v1, v2 = _router(scores_t, b)
    idx = jnp.stack([i1, i2], axis=1)
    val = jnp.stack([v1, v2], axis=1)
    return (idx, val)

# --- scband reference (transcript-rebuilt; emitter-appended) ---
"""Pipeline reference for scband-top-kgating-71098888618611 (READ-ONLY COPY).

The authoritative reference and input builder live on the scoring server;
editing this copy changes nothing except your own understanding.
"""

import jax, jax.numpy as jnp
import numpy as np

T = 8192
D = 2048
E = 16
TOP_K = 2

def setup_inputs(seed: int = 0) -> dict:
    key = jax.random.key(seed)
    k_x, k_w, k_b = jax.random.split(key, 3)
    x = jax.random.normal(k_x, (T, D), dtype=jnp.float32)
    # torch nn.Linear(input_dim, num_experts): weight [E, D], bias [E]
    bound = 1.0 / np.sqrt(D)
    W = jax.random.uniform(k_w, (E, D), dtype=jnp.float32, minval=-bound, maxval=bound)
    b = jax.random.uniform(k_b, (E,), dtype=jnp.float32, minval=-bound, maxval=bound)
    return {"x": x, "W": W, "b": b}

def reference(x, W, b):
    # gating_scores = self.gate(x)
    gating_scores = x @ W.T + b
    # softmax over experts (dim=1)
    probs = jax.nn.softmax(gating_scores, axis=1)
    # torch.topk returns (values, indices); module returns (indices, values)
    top_k_values, top_k_indices = jax.lax.top_k(probs, TOP_K)
    return (top_k_indices, top_k_values)

if __name__ == "__main__":
    import jax
    _d = setup_inputs()
    print(jax.jit(kernel)(*tuple(_d.values())))

</pallas_src>

<mosaic_0001>
#map = affine_map<(d0, d1) -> (0, 0, 0)>
#map1 = affine_map<(d0, d1) -> (0)>
module attributes {stable_mosaic.version = 14 : i64} {
  func.func @_router_body(%arg0: i32, %arg1: i32, %arg2: memref<32x16x256xf32, #tpu.memory_space<hbm>>, %arg3: memref<16xf32, #tpu.memory_space<hbm>>, %arg4: memref<8192xi32, #tpu.memory_space<hbm>>, %arg5: memref<8192xi32, #tpu.memory_space<hbm>>, %arg6: memref<8192xf32, #tpu.memory_space<hbm>>, %arg7: memref<8192xf32, #tpu.memory_space<hbm>>, %arg8: memref<16x256xf32, #tpu.memory_space<vmem>>, %arg9: memref<16xf32, #tpu.memory_space<vmem>>, %arg10: memref<256xi32, #tpu.memory_space<vmem>>, %arg11: memref<256xi32, #tpu.memory_space<vmem>>, %arg12: memref<256xf32, #tpu.memory_space<vmem>>, %arg13: memref<256xf32, #tpu.memory_space<vmem>>) attributes {dimension_semantics = [#tpu.dimension_semantics<core_parallel>, #tpu.dimension_semantics<subcore_parallel>], iteration_bounds = array<i64: 2, 16>, scalar_prefetch = 0 : i64, scratch_operands = 6 : i64, tpu.core_type = #tpu.core_type<sc_vector_subcore>, window_params = [{transform_indices = #map}, {transform_indices = #map1}, {transform_indices = #map1}, {transform_indices = #map1}, {transform_indices = #map1}, {transform_indices = #map1}]} {
    %mul3A = arith.constant 2 : i32
    %mul3A_0 = arith.muli %arg1, %mul3A : i32
    %add3A = arith.addi %mul3A_0, %arg0 : i32
    %mul3A_1 = arith.constant 256 : i32
    %mul3A_2 = arith.muli %add3A, %mul3A_1 : i32
    "tpu.region"() ({
      %run_scoped3A = tpu.sem_alloc : memref<!tpu.dma_semaphore, #tpu.memory_space<semaphore_mem>>
      %dma_start3A = arith.constant 0 : i32
      %dma_start3A_40 = arith.constant 0 : i32
      %dma_start3A_41 = tpu.memref_slice %arg2[%add3A, %dma_start3A, %dma_start3A_40] : memref<32x16x256xf32, #tpu.memory_space<hbm>> -> memref<1x16x256xf32, #tpu.memory_space<hbm>>
      %dma_start3A_42 = tpu.memref_squeeze %dma_start3A_41 : memref<1x16x256xf32, #tpu.memory_space<hbm>> -> memref<16x256xf32, #tpu.memory_space<hbm>>
      %dma_start3A_43 = arith.constant 0 : i32
      %dma_start3A_44 = arith.constant 0 : i32
      %dma_start3A_45 = tpu.memref_slice %arg2[%add3A, %dma_start3A_43, %dma_start3A_44] : memref<32x16x256xf32, #tpu.memory_space<hbm>> -> memref<1x16x256xf32, #tpu.memory_space<hbm>>
      %dma_start3A_46 = tpu.memref_squeeze %dma_start3A_45 : memref<1x16x256xf32, #tpu.memory_space<hbm>> -> memref<16x256xf32, #tpu.memory_space<hbm>>
      tpu.enqueue_dma source(%dma_start3A_46 : memref<16x256xf32, #tpu.memory_space<hbm>>) target(%arg8 : memref<16x256xf32, #tpu.memory_space<vmem>>) target_semaphore(%run_scoped3A : memref<!tpu.dma_semaphore, #tpu.memory_space<semaphore_mem>>)
      %dma_wait3A = arith.constant 0 : i32
      %dma_wait3A_47 = arith.constant 0 : i32
      %dma_wait3A_48 = tpu.memref_slice %arg2[%add3A, %dma_wait3A, %dma_wait3A_47] : memref<32x16x256xf32, #tpu.memory_space<hbm>> -> memref<1x16x256xf32, #tpu.memory_space<hbm>>
      %dma_wait3A_49 = tpu.memref_squeeze %dma_wait3A_48 : memref<1x16x256xf32, #tpu.memory_space<hbm>> -> memref<16x256xf32, #tpu.memory_space<hbm>>
      %dma_wait3A_50 = arith.constant 0 : i32
      %dma_wait3A_51 = arith.constant 0 : i32
      %dma_wait3A_52 = tpu.memref_slice %arg2[%add3A, %dma_wait3A_50, %dma_wait3A_51] : memref<32x16x256xf32, #tpu.memory_space<hbm>> -> memref<1x16x256xf32, #tpu.memory_space<hbm>>
      %dma_wait3A_53 = tpu.memref_squeeze %dma_wait3A_52 : memref<1x16x256xf32, #tpu.memory_space<hbm>> -> memref<16x256xf32, #tpu.memory_space<hbm>>
      tpu.wait_dma2 semaphore(%run_scoped3A : memref<!tpu.dma_semaphore, #tpu.memory_space<semaphore_mem>>) src(%dma_wait3A_53 : memref<16x256xf32, #tpu.memory_space<hbm>>) dst(%arg8 : memref<16x256xf32, #tpu.memory_space<vmem>>)
      tpu.yield
    }) : () -> ()
    "tpu.region"() ({
      %run_scoped3A = tpu.sem_alloc : memref<!tpu.dma_semaphore, #tpu.memory_space<semaphore_mem>>
      tpu.enqueue_dma source(%arg3 : memref<16xf32, #tpu.memory_space<hbm>>) target(%arg9 : memref<16xf32, #tpu.memory_space<vmem>>) target_semaphore(%run_scoped3A : memref<!tpu.dma_semaphore, #tpu.memory_space<semaphore_mem>>)
      tpu.wait_dma2 semaphore(%run_scoped3A : memref<!tpu.dma_semaphore, #tpu.memory_space<semaphore_mem>>) src(%arg3 : memref<16xf32, #tpu.memory_space<hbm>>) dst(%arg9 : memref<16xf32, #tpu.memory_space<vmem>>)
      tpu.yield
    }) : () -> ()
    %get3A = arith.constant 0 : index
    %get3A_3 = tpu.vector_load %arg9[%get3A] {strides = array<i32>} : memref<16xf32, #tpu.memory_space<vmem>>, vector<16xf32>,
    %slice3A = vector.extract_strided_slice %get3A_3 {offsets = [0], sizes = [1], strides = [1]} : vector<16xf32> to vector<1xf32>
    %squeeze3A = vector.extract %slice3A[0] : f32 from vector<1xf32>
    %slice3A_4 = vector.extract_strided_slice %get3A_3 {offsets = [1], sizes = [1], strides = [1]} : vector<16xf32> to vector<1xf32>
    %squeeze3A_5 = vector.extract %slice3A_4[0] : f32 from vector<1xf32>
    %slice3A_6 = vector.extract_strided_slice %get3A_3 {offsets = [2], sizes = [1], strides = [1]} : vector<16xf32> to vector<1xf32>
    %squeeze3A_7 = vector.extract %slice3A_6[0] : f32 from vector<1xf32>
    %slice3A_8 = vector.extract_strided_slice %get3A_3 {offsets = [3], sizes = [1], strides = [1]} : vector<16xf32> to vector<1xf32>
    %squeeze3A_9 = vector.extract %slice3A_8[0] : f32 from vector<1xf32>
    %slice3A_10 = vector.extract_strided_slice %get3A_3 {offsets = [4], sizes = [1], strides = [1]} : vector<16xf32> to vector<1xf32>
    %squeeze3A_11 = vector.extract %slice3A_10[0] : f32 from vector<1xf32>
    %slice3A_12 = vector.extract_strided_slice %get3A_3 {offsets = [5], sizes = [1], strides = [1]} : vector<16xf32> to vector<1xf32>
    %squeeze3A_13 = vector.extract %slice3A_12[0] : f32 from vector<1xf32>
    %slice3A_14 = vector.extract_strided_slice %get3A_3 {offsets = [6], sizes = [1], strides = [1]} : vector<16xf32> to vector<1xf32>
    %squeeze3A_15 = vector.extract %slice3A_14[0] : f32 from vector<1xf32>
    %slice3A_16 = vector.extract_strided_slice %get3A_3 {offsets = [7], sizes = [1], strides = [1]} : vector<16xf32> to vector<1xf32>
    %squeeze3A_17 = vector.extract %slice3A_16[0] : f32 from vector<1xf32>
    %slice3A_18 = vector.extract_strided_slice %get3A_3 {offsets = [8], sizes = [1], strides = [1]} : vector<16xf32> to vector<1xf32>
    %squeeze3A_19 = vector.extract %slice3A_18[0] : f32 from vector<1xf32>
    %slice3A_20 = vector.extract_strided_slice %get3A_3 {offsets = [9], sizes = [1], strides = [1]} : vector<16xf32> to vector<1xf32>
    %squeeze3A_21 = vector.extract %slice3A_20[0] : f32 from vector<1xf32>
    %slice3A_22 = vector.extract_strided_slice %get3A_3 {offsets = [10], sizes = [1], strides = [1]} : vector<16xf32> to vector<1xf32>
    %squeeze3A_23 = vector.extract %slice3A_22[0] : f32 from vector<1xf32>
    %slice3A_24 = vector.extract_strided_slice %get3A_3 {offsets = [11], sizes = [1], strides = [1]} : vector<16xf32> to vector<1xf32>
    %squeeze3A_25 = vector.extract %slice3A_24[0] : f32 from vector<1xf32>
    %slice3A_26 = vector.extract_strided_slice %get3A_3 {offsets = [12], sizes = [1], strides = [1]} : vector<16xf32> to vector<1xf32>
    %squeeze3A_27 = vector.extract %slice3A_26[0] : f32 from vector<1xf32>
    %slice3A_28 = vector.extract_strided_slice %get3A_3 {offsets = [13], sizes = [1], strides = [1]} : vector<16xf32> to vector<1xf32>
    %squeeze3A_29 = vector.extract %slice3A_28[0] : f32 from vector<1xf32>
    %slice3A_30 = vector.extract_strided_slice %get3A_3 {offsets = [14], sizes = [1], strides = [1]} : vector<16xf32> to vector<1xf32>
    %squeeze3A_31 = vector.extract %slice3A_30[0] : f32 from vector<1xf32>
    %slice3A_32 = vector.extract_strided_slice %get3A_3 {offsets = [15], sizes = [1], strides = [1]} : vector<16xf32> to vector<1xf32>
    %squeeze3A_33 = vector.extract %slice3A_32[0] : f32 from vector<1xf32>
    %broadcast_in_dim3A = arith.constant 0xFF800000 : f32
    %broadcast_in_dim3A_34 = vector.broadcast %broadcast_in_dim3A : f32 to vector<16xf32>
    %scan3A = arith.constant 0 : i32
    %scan3A_35 = arith.constant 0 : i32
    %scan3A_36 = arith.constant 16 : i32
    %scan3A_37 = arith.addi %scan3A_35, %scan3A_36 : i32
    %scan3A_38 = arith.constant 1 : i32
    scf.for %scan3A_40 = %scan3A_35 to %scan3A_37 step %scan3A_38  : i32 {
      %mul3A_41 = arith.constant 16 : i32
      %mul3A_42 = arith.muli %scan3A_40, %mul3A_41 : i32
      %get3A_43 = arith.constant 0 : i32
      %get3A_44 = arith.index_cast %get3A_43 : i32 to index
      %get3A_45 = arith.index_cast %mul3A_42 : i32 to index
      %get3A_46 = tpu.vector_load %arg8[%get3A_44, %get3A_45] {strides = array<i32>} : memref<16x256xf32, #tpu.memory_space<vmem>>, vector<16xf32>,
      %add3A_47 = vector.broadcast %squeeze3A : f32 to vector<16xf32>
      %add3A_48 = arith.addf %get3A_46, %add3A_47 : vector<16xf32>
      %get3A_49 = arith.constant 1 : i32
      %get3A_50 = arith.index_cast %get3A_49 : i32 to index
      %get3A_51 = arith.index_cast %mul3A_42 : i32 to index
      %get3A_52 = tpu.vector_load %arg8[%get3A_50, %get3A_51] {strides = array<i32>} : memref<16x256xf32, #tpu.memory_space<vmem>>, vector<16xf32>,
      %add3A_53 = vector.broadcast %squeeze3A_5 : f32 to vector<16xf32>
      %add3A_54 = arith.addf %get3A_52, %add3A_53 : vector<16xf32>
      %get3A_55 = arith.constant 2 : i32
      %get3A_56 = arith.index_cast %get3A_55 : i32 to index
      %get3A_57 = arith.index_cast %mul3A_42 : i32 to index
      %get3A_58 = tpu.vector_load %arg8[%get3A_56, %get3A_57] {strides = array<i32>} : memref<16x256xf32, #tpu.memory_space<vmem>>, vector<16xf32>,
      %add3A_59 = vector.broadcast %squeeze3A_7 : f32 to vector<16xf32>
      %add3A_60 = arith.addf %get3A_58, %add3A_59 : vector<16xf32>
      %get3A_61 = arith.constant 3 : i32
      %get3A_62 = arith.index_cast %get3A_61 : i32 to index
      %get3A_63 = arith.index_cast %mul3A_42 : i32 to index
      %get3A_64 = tpu.vector_load %arg8[%get3A_62, %get3A_63] {strides = array<i32>} : memref<16x256xf32, #tpu.memory_space<vmem>>, vector<16xf32>,
      %add3A_65 = vector.broadcast %squeeze3A_9 : f32 to vector<16xf32>
      %add3A_66 = arith.addf %get3A_64, %add3A_65 : vector<16xf32>
      %get3A_67 = arith.constant 4 : i32
      %get3A_68 = arith.index_cast %get3A_67 : i32 to index
      %get3A_69 = arith.index_cast %mul3A_42 : i32 to index
      %get3A_70 = tpu.vector_load %arg8[%get3A_68, %get3A_69] {strides = array<i32>} : memref<16x256xf32, #tpu.memory_space<vmem>>, vector<16xf32>,
      %add3A_71 = vector.broadcast %squeeze3A_11 : f32 to vector<16xf32>
      %add3A_72 = arith.addf %get3A_70, %add3A_71 : vector<16xf32>
      %get3A_73 = arith.constant 5 : i32
      %get3A_74 = arith.index_cast %get3A_73 : i32 to index
      %get3A_75 = arith.index_cast %mul3A_42 : i32 to index
      %get3A_76 = tpu.vector_load %arg8[%get3A_74, %get3A_75] {strides = array<i32>} : memref<16x256xf32, #tpu.memory_space<vmem>>, vector<16xf32>,
      %add3A_77 = vector.broadcast %squeeze3A_13 : f32 to vector<16xf32>
      %add3A_78 = arith.addf %get3A_76, %add3A_77 : vector<16xf32>
      %get3A_79 = arith.constant 6 : i32
      %get3A_80 = arith.index_cast %get3A_79 : i32 to index
      %get3A_81 = arith.index_cast %mul3A_42 : i32 to index
      %get3A_82 = tpu.vector_load %arg8[%get3A_80, %get3A_81] {strides = array<i32>} : memref<16x256xf32, #tpu.memory_space<vmem>>, vector<16xf32>,
      %add3A_83 = vector.broadcast %squeeze3A_15 : f32 to vector<16xf32>
      %add3A_84 = arith.addf %get3A_82, %add3A_83 : vector<16xf32>
      %get3A_85 = arith.constant 7 : i32
      %get3A_86 = arith.index_cast %get3A_85 : i32 to index
      %get3A_87 = arith.index_cast %mul3A_42 : i32 to index
      %get3A_88 = tpu.vector_load %arg8[%get3A_86, %get3A_87] {strides = array<i32>} : memref<16x256xf32, #tpu.memory_space<vmem>>, vector<16xf32>,
      %add3A_89 = vector.broadcast %squeeze3A_17 : f32 to vector<16xf32>
      %add3A_90 = arith.addf %get3A_88, %add3A_89 : vector<16xf32>
      %get3A_91 = arith.constant 8 : i32
      %get3A_92 = arith.index_cast %get3A_91 : i32 to index
      %get3A_93 = arith.index_cast %mul3A_42 : i32 to index
      %get3A_94 = tpu.vector_load %arg8[%get3A_92, %get3A_93] {strides = array<i32>} : memref<16x256xf32, #tpu.memory_space<vmem>>, vector<16xf32>,
      %add3A_95 = vector.broadcast %squeeze3A_19 : f32 to vector<16xf32>
      %add3A_96 = arith.addf %get3A_94, %add3A_95 : vector<16xf32>
      %get3A_97 = arith.constant 9 : i32
      %get3A_98 = arith.index_cast %get3A_97 : i32 to index
      %get3A_99 = arith.index_cast %mul3A_42 : i32 to index
      %get3A_100 = tpu.vector_load %arg8[%get3A_98, %get3A_99] {strides = array<i32>} : memref<16x256xf32, #tpu.memory_space<vmem>>, vector<16xf32>,
      %add3A_101 = vector.broadcast %squeeze3A_21 : f32 to vector<16xf32>
      %add3A_102 = arith.addf %get3A_100, %add3A_101 : vector<16xf32>
      %get3A_103 = arith.constant 10 : i32
      %get3A_104 = arith.index_cast %get3A_103 : i32 to index
      %get3A_105 = arith.index_cast %mul3A_42 : i32 to index
      %get3A_106 = tpu.vector_load %arg8[%get3A_104, %get3A_105] {strides = array<i32>} : memref<16x256xf32, #tpu.memory_space<vmem>>, vector<16xf32>,
      %add3A_107 = vector.broadcast %squeeze3A_23 : f32 to vector<16xf32>
      %add3A_108 = arith.addf %get3A_106, %add3A_107 : vector<16xf32>
      %get3A_109 = arith.constant 11 : i32
      %get3A_110 = arith.index_cast %get3A_109 : i32 to index
      %get3A_111 = arith.index_cast %mul3A_42 : i32 to index
      %get3A_112 = tpu.vector_load %arg8[%get3A_110, %get3A_111] {strides = array<i32>} : memref<16x256xf32, #tpu.memory_space<vmem>>, vector<16xf32>,
      %add3A_113 = vector.broadcast %squeeze3A_25 : f32 to vector<16xf32>
      %add3A_114 = arith.addf %get3A_112, %add3A_113 : vector<16xf32>
      %get3A_115 = arith.constant 12 : i32
      %get3A_116 = arith.index_cast %get3A_115 : i32 to index
      %get3A_117 = arith.index_cast %mul3A_42 : i32 to index
      %get3A_118 = tpu.vector_load %arg8[%get3A_116, %get3A_117] {strides = array<i32>} : memref<16x256xf32, #tpu.memory_space<vmem>>, vector<16xf32>,
      %add3A_119 = vector.broadcast %squeeze3A_27 : f32 to vector<16xf32>
      %add3A_120 = arith.addf %get3A_118, %add3A_119 : vector<16xf32>
      %get3A_121 = arith.constant 13 : i32
      %get3A_122 = arith.index_cast %get3A_121 : i32 to index
      %get3A_123 = arith.index_cast %mul3A_42 : i32 to index
      %get3A_124 = tpu.vector_load %arg8[%get3A_122, %get3A_123] {strides = array<i32>} : memref<16x256xf32, #tpu.memory_space<vmem>>, vector<16xf32>,
      %add3A_125 = vector.broadcast %squeeze3A_29 : f32 to vector<16xf32>
      %add3A_126 = arith.addf %get3A_124, %add3A_125 : vector<16xf32>
      %get3A_127 = arith.constant 14 : i32
      %get3A_128 = arith.index_cast %get3A_127 : i32 to index
      %get3A_129 = arith.index_cast %mul3A_42 : i32 to index
      %get3A_130 = tpu.vector_load %arg8[%get3A_128, %get3A_129] {strides = array<i32>} : memref<16x256xf32, #tpu.memory_space<vmem>>, vector<16xf32>,
      %add3A_131 = vector.broadcast %squeeze3A_31 : f32 to vector<16xf32>
      %add3A_132 = arith.addf %get3A_130, %add3A_131 : vector<16xf32>
      %get3A_133 = arith.constant 15 : i32
      %get3A_134 = arith.index_cast %get3A_133 : i32 to index
      %get3A_135 = arith.index_cast %mul3A_42 : i32 to index
      %get3A_136 = tpu.vector_load %arg8[%get3A_134, %get3A_135] {strides = array<i32>} : memref<16x256xf32, #tpu.memory_space<vmem>>, vector<16xf32>,
      %add3A_137 = vector.broadcast %squeeze3A_33 : f32 to vector<16xf32>
      %add3A_138 = arith.addf %get3A_136, %add3A_137 : vector<16xf32>
      %broadcast_in_dim3A_139 = arith.constant 0 : i32
      %broadcast_in_dim3A_140 = vector.broadcast %broadcast_in_dim3A_139 : i32 to vector<16xi32>
      %gt3A = arith.cmpf ogt, %add3A_54, %add3A_48 : vector<16xf32>
      %broadcast_in_dim3A_141 = arith.constant 1 : i32
      %broadcast_in_dim3A_142 = vector.broadcast %broadcast_in_dim3A_141 : i32 to vector<16xi32>
      %select_n3A = arith.select %gt3A, %broadcast_in_dim3A_142, %broadcast_in_dim3A_140 : vector<16xi1>, vector<16xi32>
      %select_n3A_143 = arith.select %gt3A, %add3A_54, %add3A_48 : vector<16xi1>, vector<16xf32>
      %gt3A_144 = arith.cmpf ogt, %add3A_60, %select_n3A_143 : vector<16xf32>
      %broadcast_in_dim3A_145 = arith.constant 2 : i32
      %broadcast_in_dim3A_146 = vector.broadcast %broadcast_in_dim3A_145 : i32 to vector<16xi32>
      %select_n3A_147 = arith.select %gt3A_144, %broadcast_in_dim3A_146, %select_n3A : vector<16xi1>, vector<16xi32>
      %select_n3A_148 = arith.select %gt3A_144, %add3A_60, %select_n3A_143 : vector<16xi1>, vector<16xf32>
      %gt3A_149 = arith.cmpf ogt, %add3A_66, %select_n3A_148 : vector<16xf32>
      %broadcast_in_dim3A_150 = arith.constant 3 : i32
      %broadcast_in_dim3A_151 = vector.broadcast %broadcast_in_dim3A_150 : i32 to vector<16xi32>
      %select_n3A_152 = arith.select %gt3A_149, %broadcast_in_dim3A_151, %select_n3A_147 : vector<16xi1>, vector<16xi32>
      %select_n3A_153 = arith.select %gt3A_149, %add3A_66, %select_n3A_148 : vector<16xi1>, vector<16xf32>
      %gt3A_154 = arith.cmpf ogt, %add3A_72, %select_n3A_153 : vector<16xf32>
      %broadcast_in_dim3A_155 = arith.constant 4 : i32
      %broadcast_in_dim3A_156 = vector.broadcast %broadcast_in_dim3A_155 : i32 to vector<16xi32>
      %select_n3A_157 = arith.select %gt3A_154, %broadcast_in_dim3A_156, %select_n3A_152 : vector<16xi1>, vector<16xi32>
      %select_n3A_158 = arith.select %gt3A_154, %add3A_72, %select_n3A_153 : vector<16xi1>, vector<16xf32>
      %gt3A_159 = arith.cmpf ogt, %add3A_78, %select_n3A_158 : vector<16xf32>
      %broadcast_in_dim3A_160 = arith.constant 5 : i32
      %broadcast_in_dim3A_161 = vector.broadcast %broadcast_in_dim3A_160 : i32 to vector<16xi32>
      %select_n3A_162 = arith.select %gt3A_159, %broadcast_in_dim3A_161, %select_n3A_157 : vector<16xi1>, vector<16xi32>
      %select_n3A_163 = arith.select %gt3A_159, %add3A_78, %select_n3A_158 : vector<16xi1>, vector<16xf32>
      %gt3A_164 = arith.cmpf ogt, %add3A_84, %select_n3A_163 : vector<16xf32>
      %broadcast_in_dim3A_165 = arith.constant 6 : i32
      %broadcast_in_dim3A_166 = vector.broadcast %broadcast_in_dim3A_165 : i32 to vector<16xi32>
      %select_n3A_167 = arith.select %gt3A_164, %broadcast_in_dim3A_166, %select_n3A_162 : vector<16xi1>, vector<16xi32>
      %select_n3A_168 = arith.select %gt3A_164, %add3A_84, %select_n3A_163 : vector<16xi1>, vector<16xf32>
      %gt3A_169 = arith.cmpf ogt, %add3A_90, %select_n3A_168 : vector<16xf32>
      %broadcast_in_dim3A_170 = arith.constant 7 : i32
      %broadcast_in_dim3A_171 = vector.broadcast %broadcast_in_dim3A_170 : i32 to vector<16xi32>
      %select_n3A_172 = arith.select %gt3A_169, %broadcast_in_dim3A_171, %select_n3A_167 : vector<16xi1>, vector<16xi32>
      %select_n3A_173 = arith.select %gt3A_169, %add3A_90, %select_n3A_168 : vector<16xi1>, vector<16xf32>
      %gt3A_174 = arith.cmpf ogt, %add3A_96, %select_n3A_173 : vector<16xf32>
      %broadcast_in_dim3A_175 = arith.constant 8 : i32
      %broadcast_in_dim3A_176 = vector.broadcast %broadcast_in_dim3A_175 : i32 to vector<16xi32>
      %select_n3A_177 = arith.select %gt3A_174, %broadcast_in_dim3A_176, %select_n3A_172 : vector<16xi1>, vector<16xi32>
      %select_n3A_178 = arith.select %gt3A_174, %add3A_96, %select_n3A_173 : vector<16xi1>, vector<16xf32>
      %gt3A_179 = arith.cmpf ogt, %add3A_102, %select_n3A_178 : vector<16xf32>
      %broadcast_in_dim3A_180 = arith.constant 9 : i32
      %broadcast_in_dim3A_181 = vector.broadcast %broadcast_in_dim3A_180 : i32 to vector<16xi32>
      %select_n3A_182 = arith.select %gt3A_179, %broadcast_in_dim3A_181, %select_n3A_177 : vector<16xi1>, vector<16xi32>
      %select_n3A_183 = arith.select %gt3A_179, %add3A_102, %select_n3A_178 : vector<16xi1>, vector<16xf32>
      %gt3A_184 = arith.cmpf ogt, %add3A_108, %select_n3A_183 : vector<16xf32>
      %broadcast_in_dim3A_185 = arith.constant 10 : i32
      %broadcast_in_dim3A_186 = vector.broadcast %broadcast_in_dim3A_185 : i32 to vector<16xi32>
      %select_n3A_187 = arith.select %gt3A_184, %broadcast_in_dim3A_186, %select_n3A_182 : vector<16xi1>, vector<16xi32>
      %select_n3A_188 = arith.select %gt3A_184, %add3A_108, %select_n3A_183 : vector<16xi1>, vector<16xf32>
      %gt3A_189 = arith.cmpf ogt, %add3A_114, %select_n3A_188 : vector<16xf32>
      %broadcast_in_dim3A_190 = arith.constant 11 : i32
      %broadcast_in_dim3A_191 = vector.broadcast %broadcast_in_dim3A_190 : i32 to vector<16xi32>
      %select_n3A_192 = arith.select %gt3A_189, %broadcast_in_dim3A_191, %select_n3A_187 : vector<16xi1>, vector<16xi32>
      %select_n3A_193 = arith.select %gt3A_189, %add3A_114, %select_n3A_188 : vector<16xi1>, vector<16xf32>
      %gt3A_194 = arith.cmpf ogt, %add3A_120, %select_n3A_193 : vector<16xf32>
      %broadcast_in_dim3A_195 = arith.constant 12 : i32
      %broadcast_in_dim3A_196 = vector.broadcast %broadcast_in_dim3A_195 : i32 to vector<16xi32>
      %select_n3A_197 = arith.select %gt3A_194, %broadcast_in_dim3A_196, %select_n3A_192 : vector<16xi1>, vector<16xi32>
      %select_n3A_198 = arith.select %gt3A_194, %add3A_120, %select_n3A_193 : vector<16xi1>, vector<16xf32>
      %gt3A_199 = arith.cmpf ogt, %add3A_126, %select_n3A_198 : vector<16xf32>
      %broadcast_in_dim3A_200 = arith.constant 13 : i32
      %broadcast_in_dim3A_201 = vector.broadcast %broadcast_in_dim3A_200 : i32 to vector<16xi32>
      %select_n3A_202 = arith.select %gt3A_199, %broadcast_in_dim3A_201, %select_n3A_197 : vector<16xi1>, vector<16xi32>
      %select_n3A_203 = arith.select %gt3A_199, %add3A_126, %select_n3A_198 : vector<16xi1>, vector<16xf32>
      %gt3A_204 = arith.cmpf ogt, %add3A_132, %select_n3A_203 : vector<16xf32>
      %broadcast_in_dim3A_205 = arith.constant 14 : i32
      %broadcast_in_dim3A_206 = vector.broadcast %broadcast_in_dim3A_205 : i32 to vector<16xi32>
      %select_n3A_207 = arith.select %gt3A_204, %broadcast_in_dim3A_206, %select_n3A_202 : vector<16xi1>, vector<16xi32>
      %select_n3A_208 = arith.select %gt3A_204, %add3A_132, %select_n3A_203 : vector<16xi1>, vector<16xf32>
      %gt3A_209 = arith.cmpf ogt, %add3A_138, %select_n3A_208 : vector<16xf32>
      %broadcast_in_dim3A_210 = arith.constant 15 : i32
      %broadcast_in_dim3A_211 = vector.broadcast %broadcast_in_dim3A_210 : i32 to vector<16xi32>
      %select_n3A_212 = arith.select %gt3A_209, %broadcast_in_dim3A_211, %select_n3A_207 : vector<16xi1>, vector<16xi32>
      %select_n3A_213 = arith.select %gt3A_209, %add3A_138, %select_n3A_208 : vector<16xi1>, vector<16xf32>
      %broadcast_in_dim3A_214 = arith.constant 0 : i32
      %broadcast_in_dim3A_215 = vector.broadcast %broadcast_in_dim3A_214 : i32 to vector<16xi32>
      %eq3A = arith.constant 0 : i32
      %eq3A_216 = vector.broadcast %eq3A : i32 to vector<16xi32>
      %eq3A_217 = arith.cmpi eq, %select_n3A_212, %eq3A_216 : vector<16xi32>
      %select_n3A_218 = arith.select %eq3A_217, %broadcast_in_dim3A_34, %add3A_48 : vector<16xi1>, vector<16xf32>
      %gt3A_219 = arith.cmpf ogt, %select_n3A_218, %broadcast_in_dim3A_34 : vector<16xf32>
      %broadcast_in_dim3A_220 = arith.constant 0 : i32
      %broadcast_in_dim3A_221 = vector.broadcast %broadcast_in_dim3A_220 : i32 to vector<16xi32>
      %select_n3A_222 = arith.select %gt3A_219, %broadcast_in_dim3A_221, %broadcast_in_dim3A_215 : vector<16xi1>, vector<16xi32>
      %select_n3A_223 = arith.select %gt3A_219, %select_n3A_218, %broadcast_in_dim3A_34 : vector<16xi1>, vector<16xf32>
      %eq3A_224 = arith.constant 1 : i32
      %eq3A_225 = vector.broadcast %eq3A_224 : i32 to vector<16xi32>
      %eq3A_226 = arith.cmpi eq, %select_n3A_212, %eq3A_225 : vector<16xi32>
      %select_n3A_227 = arith.select %eq3A_226, %broadcast_in_dim3A_34, %add3A_54 : vector<16xi1>, vector<16xf32>
      %gt3A_228 = arith.cmpf ogt, %select_n3A_227, %select_n3A_223 : vector<16xf32>
      %broadcast_in_dim3A_229 = arith.constant 1 : i32
      %broadcast_in_dim3A_230 = vector.broadcast %broadcast_in_dim3A_229 : i32 to vector<16xi32>
      %select_n3A_231 = arith.select %gt3A_228, %broadcast_in_dim3A_230, %select_n3A_222 : vector<16xi1>, vector<16xi32>
      %select_n3A_232 = arith.select %gt3A_228, %select_n3A_227, %select_n3A_223 : vector<16xi1>, vector<16xf32>
      %eq3A_233 = arith.constant 2 : i32
      %eq3A_234 = vector.broadcast %eq3A_233 : i32 to vector<16xi32>
      %eq3A_235 = arith.cmpi eq, %select_n3A_212, %eq3A_234 : vector<16xi32>
      %select_n3A_236 = arith.select %eq3A_235, %broadcast_in_dim3A_34, %add3A_60 : vector<16xi1>, vector<16xf32>
      %gt3A_237 = arith.cmpf ogt, %select_n3A_236, %select_n3A_232 : vector<16xf32>
      %broadcast_in_dim3A_238 = arith.constant 2 : i32
      %broadcast_in_dim3A_239 = vector.broadcast %broadcast_in_dim3A_238 : i32 to vector<16xi32>
      %select_n3A_240 = arith.select %gt3A_237, %broadcast_in_dim3A_239, %select_n3A_231 : vector<16xi1>, vector<16xi32>
      %select_n3A_241 = arith.select %gt3A_237, %select_n3A_236, %select_n3A_232 : vector<16xi1>, vector<16xf32>
      %eq3A_242 = arith.constant 3 : i32
      %eq3A_243 = vector.broadcast %eq3A_242 : i32 to vector<16xi32>
      %eq3A_244 = arith.cmpi eq, %select_n3A_212, %eq3A_243 : vector<16xi32>
      %select_n3A_245 = arith.select %eq3A_244, %broadcast_in_dim3A_34, %add3A_66 : vector<16xi1>, vector<16xf32>
      %gt3A_246 = arith.cmpf ogt, %select_n3A_245, %select_n3A_241 : vector<16xf32>
      %broadcast_in_dim3A_247 = arith.constant 3 : i32
      %broadcast_in_dim3A_248 = vector.broadcast %broadcast_in_dim3A_247 : i32 to vector<16xi32>
      %select_n3A_249 = arith.select %gt3A_246, %broadcast_in_dim3A_248, %select_n3A_240 : vector<16xi1>, vector<16xi32>
      %select_n3A_250 = arith.select %gt3A_246, %select_n3A_245, %select_n3A_241 : vector<16xi1>, vector<16xf32>
      %eq3A_251 = arith.constant 4 : i32
      %eq3A_252 = vector.broadcast %eq3A_251 : i32 to vector<16xi32>
      %eq3A_253 = arith.cmpi eq, %select_n3A_212, %eq3A_252 : vector<16xi32>
      %select_n3A_254 = arith.select %eq3A_253, %broadcast_in_dim3A_34, %add3A_72 : vector<16xi1>, vector<16xf32>
      %gt3A_255 = arith.cmpf ogt, %select_n3A_254, %select_n3A_250 : vector<16xf32>
      %broadcast_in_dim3A_256 = arith.constant 4 : i32
      %broadcast_in_dim3A_257 = vector.broadcast %broadcast_in_dim3A_256 : i32 to vector<16xi32>
      %select_n3A_258 = arith.select %gt3A_255, %broadcast_in_dim3A_257, %select_n3A_249 : vector<16xi1>, vector<16xi32>
      %select_n3A_259 = arith.select %gt3A_255, %select_n3A_254, %select_n3A_250 : vector<16xi1>, vector<16xf32>
      %eq3A_260 = arith.constant 5 : i32
      %eq3A_261 = vector.broadcast %eq3A_260 : i32 to vector<16xi32>
      %eq3A_262 = arith.cmpi eq, %select_n3A_212, %eq3A_261 : vector<16xi32>
      %select_n3A_263 = arith.select %eq3A_262, %broadcast_in_dim3A_34, %add3A_78 : vector<16xi1>, vector<16xf32>
      %gt3A_264 = arith.cmpf ogt, %select_n3A_263, %select_n3A_259 : vector<16xf32>
      %broadcast_in_dim3A_265 = arith.constant 5 : i32
      %broadcast_in_dim3A_266 = vector.broadcast %broadcast_in_dim3A_265 : i32 to vector<16xi32>
      %select_n3A_267 = arith.select %gt3A_264, %broadcast_in_dim3A_266, %select_n3A_258 : vector<16xi1>, vector<16xi32>
      %select_n3A_268 = arith.select %gt3A_264, %select_n3A_263, %select_n3A_259 : vector<16xi1>, vector<16xf32>
      %eq3A_269 = arith.constant 6 : i32
      %eq3A_270 = vector.broadcast %eq3A_269 : i32 to vector<16xi32>
      %eq3A_271 = arith.cmpi eq, %select_n3A_212, %eq3A_270 : vector<16xi32>
      %select_n3A_272 = arith.select %eq3A_271, %broadcast_in_dim3A_34, %add3A_84 : vector<16xi1>, vector<16xf32>
      %gt3A_273 = arith.cmpf ogt, %select_n3A_272, %select_n3A_268 : vector<16xf32>
      %broadcast_in_dim3A_274 = arith.constant 6 : i32
      %broadcast_in_dim3A_275 = vector.broadcast %broadcast_in_dim3A_274 : i32 to vector<16xi32>
      %select_n3A_276 = arith.select %gt3A_273, %broadcast_in_dim3A_275, %select_n3A_267 : vector<16xi1>, vector<16xi32>
      %select_n3A_277 = arith.select %gt3A_273, %select_n3A_272, %select_n3A_268 : vector<16xi1>, vector<16xf32>
      %eq3A_278 = arith.constant 7 : i32
      %eq3A_279 = vector.broadcast %eq3A_278 : i32 to vector<16xi32>
      %eq3A_280 = arith.cmpi eq, %select_n3A_212, %eq3A_279 : vector<16xi32>
      %select_n3A_281 = arith.select %eq3A_280, %broadcast_in_dim3A_34, %add3A_90 : vector<16xi1>, vector<16xf32>
      %gt3A_282 = arith.cmpf ogt, %select_n3A_281, %select_n3A_277 : vector<16xf32>
      %broadcast_in_dim3A_283 = arith.constant 7 : i32
      %broadcast_in_dim3A_284 = vector.broadcast %broadcast_in_dim3A_283 : i32 to vector<16xi32>
      %select_n3A_285 = arith.select %gt3A_282, %broadcast_in_dim3A_284, %select_n3A_276 : vector<16xi1>, vector<16xi32>
      %select_n3A_286 = arith.select %gt3A_282, %select_n3A_281, %select_n3A_277 : vector<16xi1>, vector<16xf32>
      %eq3A_287 = arith.constant 8 : i32
      %eq3A_288 = vector.broadcast %eq3A_287 : i32 to vector<16xi32>
      %eq3A_289 = arith.cmpi eq, %select_n3A_212, %eq3A_288 : vector<16xi32>
      %select_n3A_290 = arith.select %eq3A_289, %broadcast_in_dim3A_34, %add3A_96 : vector<16xi1>, vector<16xf32>
      %gt3A_291 = arith.cmpf ogt, %select_n3A_290, %select_n3A_286 : vector<16xf32>
      %broadcast_in_dim3A_292 = arith.constant 8 : i32
      %broadcast_in_dim3A_293 = vector.broadcast %broadcast_in_dim3A_292 : i32 to vector<16xi32>
      %select_n3A_294 = arith.select %gt3A_291, %broadcast_in_dim3A_293, %select_n3A_285 : vector<16xi1>, vector<16xi32>
      %select_n3A_295 = arith.select %gt3A_291, %select_n3A_290, %select_n3A_286 : vector<16xi1>, vector<16xf32>
      %eq3A_296 = arith.constant 9 : i32
      %eq3A_297 = vector.broadcast %eq3A_296 : i32 to vector<16xi32>
      %eq3A_298 = arith.cmpi eq, %select_n3A_212, %eq3A_297 : vector<16xi32>
      %select_n3A_299 = arith.select %eq3A_298, %broadcast_in_dim3A_34, %add3A_102 : vector<16xi1>, vector<16xf32>
      %gt3A_300 = arith.cmpf ogt, %select_n3A_299, %select_n3A_295 : vector<16xf32>
      %broadcast_in_dim3A_301 = arith.constant 9 : i32
      %broadcast_in_dim3A_302 = vector.broadcast %broadcast_in_dim3A_301 : i32 to vector<16xi32>
      %select_n3A_303 = arith.select %gt3A_300, %broadcast_in_dim3A_302, %select_n3A_294 : vector<16xi1>, vector<16xi32>
      %select_n3A_304 = arith.select %gt3A_300, %select_n3A_299, %select_n3A_295 : vector<16xi1>, vector<16xf32>
      %eq3A_305 = arith.constant 10 : i32
      %eq3A_306 = vector.broadcast %eq3A_305 : i32 to vector<16xi32>
      %eq3A_307 = arith.cmpi eq, %select_n3A_212, %eq3A_306 : vector<16xi32>
      %select_n3A_308 = arith.select %eq3A_307, %broadcast_in_dim3A_34, %add3A_108 : vector<16xi1>, vector<16xf32>
      %gt3A_309 = arith.cmpf ogt, %select_n3A_308, %select_n3A_304 : vector<16xf32>
      %broadcast_in_dim3A_310 = arith.constant 10 : i32
      %broadcast_in_dim3A_311 = vector.broadcast %broadcast_in_dim3A_310 : i32 to vector<16xi32>
      %select_n3A_312 = arith.select %gt3A_309, %broadcast_in_dim3A_311, %select_n3A_303 : vector<16xi1>, vector<16xi32>
      %select_n3A_313 = arith.select %gt3A_309, %select_n3A_308, %select_n3A_304 : vector<16xi1>, vector<16xf32>
      %eq3A_314 = arith.constant 11 : i32
      %eq3A_315 = vector.broadcast %eq3A_314 : i32 to vector<16xi32>
      %eq3A_316 = arith.cmpi eq, %select_n3A_212, %eq3A_315 : vector<16xi32>
      %select_n3A_317 = arith.select %eq3A_316, %broadcast_in_dim3A_34, %add3A_114 : vector<16xi1>, vector<16xf32>
      %gt3A_318 = arith.cmpf ogt, %select_n3A_317, %select_n3A_313 : vector<16xf32>
      %broadcast_in_dim3A_319 = arith.constant 11 : i32
      %broadcast_in_dim3A_320 = vector.broadcast %broadcast_in_dim3A_319 : i32 to vector<16xi32>
      %select_n3A_321 = arith.select %gt3A_318, %broadcast_in_dim3A_320, %select_n3A_312 : vector<16xi1>, vector<16xi32>
      %select_n3A_322 = arith.select %gt3A_318, %select_n3A_317, %select_n3A_313 : vector<16xi1>, vector<16xf32>
      %eq3A_323 = arith.constant 12 : i32
      %eq3A_324 = vector.broadcast %eq3A_323 : i32 to vector<16xi32>
      %eq3A_325 = arith.cmpi eq, %select_n3A_212, %eq3A_324 : vector<16xi32>
      %select_n3A_326 = arith.select %eq3A_325, %broadcast_in_dim3A_34, %add3A_120 : vector<16xi1>, vector<16xf32>
      %gt3A_327 = arith.cmpf ogt, %select_n3A_326, %select_n3A_322 : vector<16xf32>
      %broadcast_in_dim3A_328 = arith.constant 12 : i32
      %broadcast_in_dim3A_329 = vector.broadcast %broadcast_in_dim3A_328 : i32 to vector<16xi32>
      %select_n3A_330 = arith.select %gt3A_327, %broadcast_in_dim3A_329, %select_n3A_321 : vector<16xi1>, vector<16xi32>
      %select_n3A_331 = arith.select %gt3A_327, %select_n3A_326, %select_n3A_322 : vector<16xi1>, vector<16xf32>
      %eq3A_332 = arith.constant 13 : i32
      %eq3A_333 = vector.broadcast %eq3A_332 : i32 to vector<16xi32>
      %eq3A_334 = arith.cmpi eq, %select_n3A_212, %eq3A_333 : vector<16xi32>
      %select_n3A_335 = arith.select %eq3A_334, %broadcast_in_dim3A_34, %add3A_126 : vector<16xi1>, vector<16xf32>
      %gt3A_336 = arith.cmpf ogt, %select_n3A_335, %select_n3A_331 : vector<16xf32>
      %broadcast_in_dim3A_337 = arith.constant 13 : i32
      %broadcast_in_dim3A_338 = vector.broadcast %broadcast_in_dim3A_337 : i32 to vector<16xi32>
      %select_n3A_339 = arith.select %gt3A_336, %broadcast_in_dim3A_338, %select_n3A_330 : vector<16xi1>, vector<16xi32>
      %select_n3A_340 = arith.select %gt3A_336, %select_n3A_335, %select_n3A_331 : vector<16xi1>, vector<16xf32>
      %eq3A_341 = arith.constant 14 : i32
      %eq3A_342 = vector.broadcast %eq3A_341 : i32 to vector<16xi32>
      %eq3A_343 = arith.cmpi eq, %select_n3A_212, %eq3A_342 : vector<16xi32>
      %select_n3A_344 = arith.select %eq3A_343, %broadcast_in_dim3A_34, %add3A_132 : vector<16xi1>, vector<16xf32>
      %gt3A_345 = arith.cmpf ogt, %select_n3A_344, %select_n3A_340 : vector<16xf32>
      %broadcast_in_dim3A_346 = arith.constant 14 : i32
      %broadcast_in_dim3A_347 = vector.broadcast %broadcast_in_dim3A_346 : i32 to vector<16xi32>
      %select_n3A_348 = arith.select %gt3A_345, %broadcast_in_dim3A_347, %select_n3A_339 : vector<16xi1>, vector<16xi32>
      %select_n3A_349 = arith.select %gt3A_345, %select_n3A_344, %select_n3A_340 : vector<16xi1>, vector<16xf32>
      %eq3A_350 = arith.constant 15 : i32
      %eq3A_351 = vector.broadcast %eq3A_350 : i32 to vector<16xi32>
      %eq3A_352 = arith.cmpi eq, %select_n3A_212, %eq3A_351 : vector<16xi32>
      %select_n3A_353 = arith.select %eq3A_352, %broadcast_in_dim3A_34, %add3A_138 : vector<16xi1>, vector<16xf32>
      %gt3A_354 = arith.cmpf ogt, %select_n3A_353, %select_n3A_349 : vector<16xf32>
      %broadcast_in_dim3A_355 = arith.constant 15 : i32
      %broadcast_in_dim3A_356 = vector.broadcast %broadcast_in_dim3A_355 : i32 to vector<16xi32>
      %select_n3A_357 = arith.select %gt3A_354, %broadcast_in_dim3A_356, %select_n3A_348 : vector<16xi1>, vector<16xi32>
      %select_n3A_358 = arith.select %gt3A_354, %select_n3A_353, %select_n3A_349 : vector<16xi1>, vector<16xf32>
      %sub3A = arith.subf %add3A_48, %select_n3A_213 : vector<16xf32>
      %exp3A = math.exp %sub3A : vector<16xf32>
      %sub3A_359 = arith.subf %add3A_54, %select_n3A_213 : vector<16xf32>
      %exp3A_360 = math.exp %sub3A_359 : vector<16xf32>
      %add3A_361 = arith.addf %exp3A, %exp3A_360 : vector<16xf32>
      %sub3A_362 = arith.subf %add3A_60, %select_n3A_213 : vector<16xf32>
      %exp3A_363 = math.exp %sub3A_362 : vector<16xf32>
      %add3A_364 = arith.addf %add3A_361, %exp3A_363 : vector<16xf32>
      %sub3A_365 = arith.subf %add3A_66, %select_n3A_213 : vector<16xf32>
      %exp3A_366 = math.exp %sub3A_365 : vector<16xf32>
      %add3A_367 = arith.addf %add3A_364, %exp3A_366 : vector<16xf32>
      %sub3A_368 = arith.subf %add3A_72, %select_n3A_213 : vector<16xf32>
      %exp3A_369 = math.exp %sub3A_368 : vector<16xf32>
      %add3A_370 = arith.addf %add3A_367, %exp3A_369 : vector<16xf32>
      %sub3A_371 = arith.subf %add3A_78, %select_n3A_213 : vector<16xf32>
      %exp3A_372 = math.exp %sub3A_371 : vector<16xf32>
      %add3A_373 = arith.addf %add3A_370, %exp3A_372 : vector<16xf32>
      %sub3A_374 = arith.subf %add3A_84, %select_n3A_213 : vector<16xf32>
      %exp3A_375 = math.exp %sub3A_374 : vector<16xf32>
      %add3A_376 = arith.addf %add3A_373, %exp3A_375 : vector<16xf32>
      %sub3A_377 = arith.subf %add3A_90, %select_n3A_213 : vector<16xf32>
      %exp3A_378 = math.exp %sub3A_377 : vector<16xf32>
      %add3A_379 = arith.addf %add3A_376, %exp3A_378 : vector<16xf32>
      %sub3A_380 = arith.subf %add3A_96, %select_n3A_213 : vector<16xf32>
      %exp3A_381 = math.exp %sub3A_380 : vector<16xf32>
      %add3A_382 = arith.addf %add3A_379, %exp3A_381 : vector<16xf32>
      %sub3A_383 = arith.subf %add3A_102, %select_n3A_213 : vector<16xf32>
      %exp3A_384 = math.exp %sub3A_383 : vector<16xf32>
      %add3A_385 = arith.addf %add3A_382, %exp3A_384 : vector<16xf32>
      %sub3A_386 = arith.subf %add3A_108, %select_n3A_213 : vector<16xf32>
      %exp3A_387 = math.exp %sub3A_386 : vector<16xf32>
      %add3A_388 = arith.addf %add3A_385, %exp3A_387 : vector<16xf32>
      %sub3A_389 = arith.subf %add3A_114, %select_n3A_213 : vector<16xf32>
      %exp3A_390 = math.exp %sub3A_389 : vector<16xf32>
      %add3A_391 = arith.addf %add3A_388, %exp3A_390 : vector<16xf32>
      %sub3A_392 = arith.subf %add3A_120, %select_n3A_213 : vector<16xf32>
      %exp3A_393 = math.exp %sub3A_392 : vector<16xf32>
      %add3A_394 = arith.addf %add3A_391, %exp3A_393 : vector<16xf32>
      %sub3A_395 = arith.subf %add3A_126, %select_n3A_213 : vector<16xf32>
      %exp3A_396 = math.exp %sub3A_395 : vector<16xf32>
      %add3A_397 = arith.addf %add3A_394, %exp3A_396 : vector<16xf32>
      %sub3A_398 = arith.subf %add3A_132, %select_n3A_213 : vector<16xf32>
      %exp3A_399 = math.exp %sub3A_398 : vector<16xf32>
      %add3A_400 = arith.addf %add3A_397, %exp3A_399 : vector<16xf32>
      %sub3A_401 = arith.subf %add3A_138, %select_n3A_213 : vector<16xf32>
      %exp3A_402 = math.exp %sub3A_401 : vector<16xf32>
      %add3A_403 = arith.addf %add3A_400, %exp3A_402 : vector<16xf32>
      %swap3A = arith.index_cast %mul3A_42 : i32 to index
      %swap3A_404 = tpu.vector_load %arg10[%swap3A] {strides = array<i32>} : memref<256xi32, #tpu.memory_space<vmem>>, vector<16xi32>,
      tpu.vector_store %arg10[%swap3A], %select_n3A_212 {strides = array<i32>} : memref<256xi32, #tpu.memory_space<vmem>>, vector<16xi32>,
      %swap3A_405 = arith.index_cast %mul3A_42 : i32 to index
      %swap3A_406 = tpu.vector_load %arg11[%swap3A_405] {strides = array<i32>} : memref<256xi32, #tpu.memory_space<vmem>>, vector<16xi32>,
      tpu.vector_store %arg11[%swap3A_405], %select_n3A_357 {strides = array<i32>} : memref<256xi32, #tpu.memory_space<vmem>>, vector<16xi32>,
      %broadcast_in_dim3A_407 = arith.constant 1.000000e+00 : f32
      %broadcast_in_dim3A_408 = vector.broadcast %broadcast_in_dim3A_407 : f32 to vector<16xf32>
      %div3A = arith.divf %broadcast_in_dim3A_408, %add3A_403 : vector<16xf32>
      %swap3A_409 = arith.index_cast %mul3A_42 : i32 to index
      %swap3A_410 = tpu.vector_load %arg12[%swap3A_409] {strides = array<i32>} : memref<256xf32, #tpu.memory_space<vmem>>, vector<16xf32>,
      tpu.vector_store %arg12[%swap3A_409], %div3A {strides = array<i32>} : memref<256xf32, #tpu.memory_space<vmem>>, vector<16xf32>,
      %sub3A_411 = arith.subf %select_n3A_358, %select_n3A_213 : vector<16xf32>
      %exp3A_412 = math.exp %sub3A_411 : vector<16xf32>
      %div3A_413 = arith.divf %exp3A_412, %add3A_403 : vector<16xf32>
      %swap3A_414 = arith.index_cast %mul3A_42 : i32 to index
      %swap3A_415 = tpu.vector_load %arg13[%swap3A_414] {strides = array<i32>} : memref<256xf32, #tpu.memory_space<vmem>>, vector<16xf32>,
      tpu.vector_store %arg13[%swap3A_414], %div3A_413 {strides = array<i32>} : memref<256xf32, #tpu.memory_space<vmem>>, vector<16xf32>,
    }
    %scan3A_39 = arith.constant 16 : i32
    "tpu.region"() ({
      %run_scoped3A = tpu.sem_alloc : memref<!tpu.dma_semaphore, #tpu.memory_space<semaphore_mem>>
      %dma_start3A = tpu.memref_slice %arg4[%mul3A_2] : memref<8192xi32, #tpu.memory_space<hbm>> -> memref<256xi32, #tpu.memory_space<hbm>>
      %dma_start3A_40 = tpu.memref_slice %arg4[%mul3A_2] : memref<8192xi32, #tpu.memory_space<hbm>> -> memref<256xi32, #tpu.memory_space<hbm>>
      tpu.enqueue_dma source(%arg10 : memref<256xi32, #tpu.memory_space<vmem>>) target(%dma_start3A_40 : memref<256xi32, #tpu.memory_space<hbm>>) target_semaphore(%run_scoped3A : memref<!tpu.dma_semaphore, #tpu.memory_space<semaphore_mem>>)
      %dma_wait3A = tpu.memref_slice %arg4[%mul3A_2] : memref<8192xi32, #tpu.memory_space<hbm>> -> memref<256xi32, #tpu.memory_space<hbm>>
      %dma_wait3A_41 = tpu.memref_slice %arg4[%mul3A_2] : memref<8192xi32, #tpu.memory_space<hbm>> -> memref<256xi32, #tpu.memory_space<hbm>>
      tpu.wait_dma2 semaphore(%run_scoped3A : memref<!tpu.dma_semaphore, #tpu.memory_space<semaphore_mem>>) src(%arg10 : memref<256xi32, #tpu.memory_space<vmem>>) dst(%dma_wait3A_41 : memref<256xi32, #tpu.memory_space<hbm>>)
      tpu.yield
    }) : () -> ()
    "tpu.region"() ({
      %run_scoped3A = tpu.sem_alloc : memref<!tpu.dma_semaphore, #tpu.memory_space<semaphore_mem>>
      %dma_start3A = tpu.memref_slice %arg5[%mul3A_2] : memref<8192xi32, #tpu.memory_space<hbm>> -> memref<256xi32, #tpu.memory_space<hbm>>
      %dma_start3A_40 = tpu.memref_slice %arg5[%mul3A_2] : memref<8192xi32, #tpu.memory_space<hbm>> -> memref<256xi32, #tpu.memory_space<hbm>>
      tpu.enqueue_dma source(%arg11 : memref<256xi32, #tpu.memory_space<vmem>>) target(%dma_start3A_40 : memref<256xi32, #tpu.memory_space<hbm>>) target_semaphore(%run_scoped3A : memref<!tpu.dma_semaphore, #tpu.memory_space<semaphore_mem>>)
      %dma_wait3A = tpu.memref_slice %arg5[%mul3A_2] : memref<8192xi32, #tpu.memory_space<hbm>> -> memref<256xi32, #tpu.memory_space<hbm>>
      %dma_wait3A_41 = tpu.memref_slice %arg5[%mul3A_2] : memref<8192xi32, #tpu.memory_space<hbm>> -> memref<256xi32, #tpu.memory_space<hbm>>
      tpu.wait_dma2 semaphore(%run_scoped3A : memref<!tpu.dma_semaphore, #tpu.memory_space<semaphore_mem>>) src(%arg11 : memref<256xi32, #tpu.memory_space<vmem>>) dst(%dma_wait3A_41 : memref<256xi32, #tpu.memory_space<hbm>>)
      tpu.yield
    }) : () -> ()
    "tpu.region"() ({
      %run_scoped3A = tpu.sem_alloc : memref<!tpu.dma_semaphore, #tpu.memory_space<semaphore_mem>>
      %dma_start3A = tpu.memref_slice %arg6[%mul3A_2] : memref<8192xf32, #tpu.memory_space<hbm>> -> memref<256xf32, #tpu.memory_space<hbm>>
      %dma_start3A_40 = tpu.memref_slice %arg6[%mul3A_2] : memref<8192xf32, #tpu.memory_space<hbm>> -> memref<256xf32, #tpu.memory_space<hbm>>
      tpu.enqueue_dma source(%arg12 : memref<256xf32, #tpu.memory_space<vmem>>) target(%dma_start3A_40 : memref<256xf32, #tpu.memory_space<hbm>>) target_semaphore(%run_scoped3A : memref<!tpu.dma_semaphore, #tpu.memory_space<semaphore_mem>>)
      %dma_wait3A = tpu.memref_slice %arg6[%mul3A_2] : memref<8192xf32, #tpu.memory_space<hbm>> -> memref<256xf32, #tpu.memory_space<hbm>>
      %dma_wait3A_41 = tpu.memref_slice %arg6[%mul3A_2] : memref<8192xf32, #tpu.memory_space<hbm>> -> memref<256xf32, #tpu.memory_space<hbm>>
      tpu.wait_dma2 semaphore(%run_scoped3A : memref<!tpu.dma_semaphore, #tpu.memory_space<semaphore_mem>>) src(%arg12 : memref<256xf32, #tpu.memory_space<vmem>>) dst(%dma_wait3A_41 : memref<256xf32, #tpu.memory_space<hbm>>)
      tpu.yield
    }) : () -> ()
    "tpu.region"() ({
      %run_scoped3A = tpu.sem_alloc : memref<!tpu.dma_semaphore, #tpu.memory_space<semaphore_mem>>
      %dma_start3A = tpu.memref_slice %arg7[%mul3A_2] : memref<8192xf32, #tpu.memory_space<hbm>> -> memref<256xf32, #tpu.memory_space<hbm>>
      %dma_start3A_40 = tpu.memref_slice %arg7[%mul3A_2] : memref<8192xf32, #tpu.memory_space<hbm>> -> memref<256xf32, #tpu.memory_space<hbm>>
      tpu.enqueue_dma source(%arg13 : memref<256xf32, #tpu.memory_space<vmem>>) target(%dma_start3A_40 : memref<256xf32, #tpu.memory_space<hbm>>) target_semaphore(%run_scoped3A : memref<!tpu.dma_semaphore, #tpu.memory_space<semaphore_mem>>)
      %dma_wait3A = tpu.memref_slice %arg7[%mul3A_2] : memref<8192xf32, #tpu.memory_space<hbm>> -> memref<256xf32, #tpu.memory_space<hbm>>
      %dma_wait3A_41 = tpu.memref_slice %arg7[%mul3A_2] : memref<8192xf32, #tpu.memory_space<hbm>> -> memref<256xf32, #tpu.memory_space<hbm>>
      tpu.wait_dma2 semaphore(%run_scoped3A : memref<!tpu.dma_semaphore, #tpu.memory_space<semaphore_mem>>) src(%arg13 : memref<256xf32, #tpu.memory_space<vmem>>) dst(%dma_wait3A_41 : memref<256xf32, #tpu.memory_space<hbm>>)
      tpu.yield
    }) : () -> ()
    return
  }
}

module attributes {stable_mosaic.version = 14 : i64} {
  func.func @_gate_matmul_body(%arg0: memref<8192x2048xf32, #tpu.memory_space<any>>, %arg1: memref<16x2048xf32, #tpu.memory_space<vmem>>, %arg2: memref<32x16x256xf32, #tpu.memory_space<vmem>>, %arg3: memref<4x512x2048xf32, #tpu.memory_space<vmem>>, %arg4: memref<4x!tpu.dma_semaphore, #tpu.memory_space<semaphore_mem>>) attributes {dimension_semantics = [], scalar_prefetch = 0 : i64, scratch_operands = 2 : i64, tpu.core_type = #tpu.core_type<tc>} {
    %dma_start3A = arith.constant 0 : i32
    %dma_start3A_0 = arith.constant 0 : i32
    %dma_start3A_1 = tpu.memref_slice %arg4[%dma_start3A_0] : memref<4x!tpu.dma_semaphore, #tpu.memory_space<semaphore_mem>> -> memref<1x!tpu.dma_semaphore, #tpu.memory_space<semaphore_mem>>
    %dma_start3A_2 = tpu.memref_squeeze %dma_start3A_1 : memref<1x!tpu.dma_semaphore, #tpu.memory_space<semaphore_mem>> -> memref<!tpu.dma_semaphore, #tpu.memory_space<semaphore_mem>>
    %dma_start3A_3 = arith.constant 0 : i32
    %dma_start3A_4 = arith.constant 0 : i32
    %dma_start3A_5 = tpu.memref_slice %arg3[%dma_start3A, %dma_start3A_3, %dma_start3A_4] : memref<4x512x2048xf32, #tpu.memory_space<vmem>> -> memref<1x512x2048xf32, #tpu.memory_space<vmem>>
    %dma_start3A_6 = tpu.memref_squeeze %dma_start3A_5 : memref<1x512x2048xf32, #tpu.memory_space<vmem>> -> memref<512x2048xf32, #tpu.memory_space<vmem>>
    %dma_start3A_7 = arith.constant 0 : i32
    %dma_start3A_8 = arith.constant 0 : i32
    %dma_start3A_9 = tpu.memref_slice %arg0[%dma_start3A_7, %dma_start3A_8] : memref<8192x2048xf32, #tpu.memory_space<any>> -> memref<512x2048xf32, #tpu.memory_space<any>>
    tpu.enqueue_dma source(%dma_start3A_9 : memref<512x2048xf32, #tpu.memory_space<any>>) target(%dma_start3A_6 : memref<512x2048xf32, #tpu.memory_space<vmem>>) target_semaphore(%dma_start3A_2 : memref<!tpu.dma_semaphore, #tpu.memory_space<semaphore_mem>>)
    %dma_start3A_10 = arith.constant 1 : i32
    %dma_start3A_11 = arith.constant 1 : i32
    %dma_start3A_12 = tpu.memref_slice %arg4[%dma_start3A_11] : memref<4x!tpu.dma_semaphore, #tpu.memory_space<semaphore_mem>> -> memref<1x!tpu.dma_semaphore, #tpu.memory_space<semaphore_mem>>
    %dma_start3A_13 = tpu.memref_squeeze %dma_start3A_12 : memref<1x!tpu.dma_semaphore, #tpu.memory_space<semaphore_mem>> -> memref<!tpu.dma_semaphore, #tpu.memory_space<semaphore_mem>>
    %dma_start3A_14 = arith.constant 0 : i32
    %dma_start3A_15 = arith.constant 0 : i32
    %dma_start3A_16 = tpu.memref_slice %arg3[%dma_start3A_10, %dma_start3A_14, %dma_start3A_15] : memref<4x512x2048xf32, #tpu.memory_space<vmem>> -> memref<1x512x2048xf32, #tpu.memory_space<vmem>>
    %dma_start3A_17 = tpu.memref_squeeze %dma_start3A_16 : memref<1x512x2048xf32, #tpu.memory_space<vmem>> -> memref<512x2048xf32, #tpu.memory_space<vmem>>
    %dma_start3A_18 = arith.constant 512 : i32
    %dma_start3A_19 = arith.constant 0 : i32
    %dma_start3A_20 = tpu.memref_slice %arg0[%dma_start3A_18, %dma_start3A_19] : memref<8192x2048xf32, #tpu.memory_space<any>> -> memref<512x2048xf32, #tpu.memory_space<any>>
    tpu.enqueue_dma source(%dma_start3A_20 : memref<512x2048xf32, #tpu.memory_space<any>>) target(%dma_start3A_17 : memref<512x2048xf32, #tpu.memory_space<vmem>>) target_semaphore(%dma_start3A_13 : memref<!tpu.dma_semaphore, #tpu.memory_space<semaphore_mem>>)
    %dma_start3A_21 = arith.constant 2 : i32
    %dma_start3A_22 = arith.constant 2 : i32
    %dma_start3A_23 = tpu.memref_slice %arg4[%dma_start3A_22] : memref<4x!tpu.dma_semaphore, #tpu.memory_space<semaphore_mem>> -> memref<1x!tpu.dma_semaphore, #tpu.memory_space<semaphore_mem>>
    %dma_start3A_24 = tpu.memref_squeeze %dma_start3A_23 : memref<1x!tpu.dma_semaphore, #tpu.memory_space<semaphore_mem>> -> memref<!tpu.dma_semaphore, #tpu.memory_space<semaphore_mem>>
    %dma_start3A_25 = arith.constant 0 : i32
    %dma_start3A_26 = arith.constant 0 : i32
    %dma_start3A_27 = tpu.memref_slice %arg3[%dma_start3A_21, %dma_start3A_25, %dma_start3A_26] : memref<4x512x2048xf32, #tpu.memory_space<vmem>> -> memref<1x512x2048xf32, #tpu.memory_space<vmem>>
    %dma_start3A_28 = tpu.memref_squeeze %dma_start3A_27 : memref<1x512x2048xf32, #tpu.memory_space<vmem>> -> memref<512x2048xf32, #tpu.memory_space<vmem>>
    %dma_start3A_29 = arith.constant 1024 : i32
    %dma_start3A_30 = arith.constant 0 : i32
    %dma_start3A_31 = tpu.memref_slice %arg0[%dma_start3A_29, %dma_start3A_30] : memref<8192x2048xf32, #tpu.memory_space<any>> -> memref<512x2048xf32, #tpu.memory_space<any>>
    tpu.enqueue_dma source(%dma_start3A_31 : memref<512x2048xf32, #tpu.memory_space<any>>) target(%dma_start3A_28 : memref<512x2048xf32, #tpu.memory_space<vmem>>) target_semaphore(%dma_start3A_24 : memref<!tpu.dma_semaphore, #tpu.memory_space<semaphore_mem>>)
    %dma_start3A_32 = arith.constant 3 : i32
    %dma_start3A_33 = arith.constant 3 : i32
    %dma_start3A_34 = tpu.memref_slice %arg4[%dma_start3A_33] : memref<4x!tpu.dma_semaphore, #tpu.memory_space<semaphore_mem>> -> memref<1x!tpu.dma_semaphore, #tpu.memory_space<semaphore_mem>>
    %dma_start3A_35 = tpu.memref_squeeze %dma_start3A_34 : memref<1x!tpu.dma_semaphore, #tpu.memory_space<semaphore_mem>> -> memref<!tpu.dma_semaphore, #tpu.memory_space<semaphore_mem>>
    %dma_start3A_36 = arith.constant 0 : i32
    %dma_start3A_37 = arith.constant 0 : i32
    %dma_start3A_38 = tpu.memref_slice %arg3[%dma_start3A_32, %dma_start3A_36, %dma_start3A_37] : memref<4x512x2048xf32, #tpu.memory_space<vmem>> -> memref<1x512x2048xf32, #tpu.memory_space<vmem>>
    %dma_start3A_39 = tpu.memref_squeeze %dma_start3A_38 : memref<1x512x2048xf32, #tpu.memory_space<vmem>> -> memref<512x2048xf32, #tpu.memory_space<vmem>>
    %dma_start3A_40 = arith.constant 1536 : i32
    %dma_start3A_41 = arith.constant 0 : i32
    %dma_start3A_42 = tpu.memref_slice %arg0[%dma_start3A_40, %dma_start3A_41] : memref<8192x2048xf32, #tpu.memory_space<any>> -> memref<512x2048xf32, #tpu.memory_space<any>>
    tpu.enqueue_dma source(%dma_start3A_42 : memref<512x2048xf32, #tpu.memory_space<any>>) target(%dma_start3A_39 : memref<512x2048xf32, #tpu.memory_space<vmem>>) target_semaphore(%dma_start3A_35 : memref<!tpu.dma_semaphore, #tpu.memory_space<semaphore_mem>>)
    %scan3A = arith.constant 0 : i32
    %scan3A_43 = arith.constant 4 : i32
    %scan3A_44 = arith.addi %scan3A, %scan3A_43 : i32
    %scan3A_45 = arith.constant 1 : i32
    scf.for %scan3A_47 = %scan3A to %scan3A_44 step %scan3A_45  : i32 {
      %mul3A = arith.constant 4 : i32
      %mul3A_48 = arith.muli %scan3A_47, %mul3A : i32
      %add3A = arith.constant 0 : i32
      %add3A_49 = arith.addi %mul3A_48, %add3A : i32
      %mul3A_50 = arith.constant 512 : i32
      %mul3A_51 = arith.muli %add3A_49, %mul3A_50 : i32
      %dma_wait3A = arith.constant 0 : i32
      %dma_wait3A_52 = arith.constant 0 : i32
      %dma_wait3A_53 = tpu.memref_slice %arg4[%dma_wait3A_52] : memref<4x!tpu.dma_semaphore, #tpu.memory_space<semaphore_mem>> -> memref<1x!tpu.dma_semaphore, #tpu.memory_space<semaphore_mem>>
      %dma_wait3A_54 = tpu.memref_squeeze %dma_wait3A_53 : memref<1x!tpu.dma_semaphore, #tpu.memory_space<semaphore_mem>> -> memref<!tpu.dma_semaphore, #tpu.memory_space<semaphore_mem>>
      %dma_wait3A_55 = arith.constant 0 : i32
      %dma_wait3A_56 = arith.constant 0 : i32
      %dma_wait3A_57 = tpu.memref_slice %arg3[%dma_wait3A, %dma_wait3A_55, %dma_wait3A_56] : memref<4x512x2048xf32, #tpu.memory_space<vmem>> -> memref<1x512x2048xf32, #tpu.memory_space<vmem>>
      %dma_wait3A_58 = tpu.memref_squeeze %dma_wait3A_57 : memref<1x512x2048xf32, #tpu.memory_space<vmem>> -> memref<512x2048xf32, #tpu.memory_space<vmem>>
      %dma_wait3A_59 = arith.constant 0 : i32
      %dma_wait3A_60 = tpu.memref_slice %arg0[%mul3A_51, %dma_wait3A_59] : memref<8192x2048xf32, #tpu.memory_space<any>> -> memref<512x2048xf32, #tpu.memory_space<any>>
      tpu.wait_dma2 semaphore(%dma_wait3A_54 : memref<!tpu.dma_semaphore, #tpu.memory_space<semaphore_mem>>) src(%dma_wait3A_60 : memref<512x2048xf32, #tpu.memory_space<any>>) dst(%dma_wait3A_58 : memref<512x2048xf32, #tpu.memory_space<vmem>>)
      %get3A = arith.constant 0 : index
      %get3A_61 = arith.constant 0 : index
      %get3A_62 = vector.load %arg1[%get3A, %get3A_61] : memref<16x2048xf32, #tpu.memory_space<vmem>>, vector<16x2048xf32>
      %get3A_63 = arith.constant 0 : index
      %get3A_64 = arith.constant 0 : index
      %get3A_65 = arith.constant 0 : index
      %get3A_66 = vector.load %arg3[%get3A_63, %get3A_64, %get3A_65] : memref<4x512x2048xf32, #tpu.memory_space<vmem>>, vector<1x512x2048xf32>
      %get3A_67 = vector.shape_cast %get3A_66 : vector<1x512x2048xf32> to vector<512x2048xf32>
      %dot_general3A = arith.constant dense<0.000000e+00> : vector<16x512xf32>
      %dot_general3A_68 = tpu.matmul %get3A_62, %get3A_67, %dot_general3A {dimension_numbers = #tpu.dot_dimension_numbers<[1], [1], [0], [0], [0, 0, 1, 0], [], []>, transpose_lhs_hint = false} : vector<16x2048xf32>, vector<512x2048xf32>, vector<16x512xf32> -> vector<16x512xf32>
      %slice3A = vector.extract_strided_slice %dot_general3A_68 {offsets = [0, 0], sizes = [16, 256], strides = [1, 1]} : vector<16x512xf32> to vector<16x256xf32>
      %reshape3A = vector.shape_cast %slice3A : vector<16x256xf32> to vector<1x16x256xf32>
      %mul3A_69 = arith.constant 2 : i32
      %mul3A_70 = arith.muli %add3A_49, %mul3A_69 : i32
      %add3A_71 = arith.constant 0 : i32
      %add3A_72 = arith.addi %mul3A_70, %add3A_71 : i32
      %swap3A = arith.index_cast %add3A_72 : i32 to index
      %swap3A_73 = arith.constant 0 : index
      %swap3A_74 = arith.constant 0 : index
      %swap3A_75 = vector.load %arg2[%swap3A, %swap3A_73, %swap3A_74] : memref<32x16x256xf32, #tpu.memory_space<vmem>>, vector<1x16x256xf32>
      tpu.vector_store %arg2[%swap3A, %swap3A_73, %swap3A_74], %reshape3A {strides = array<i32>} : memref<32x16x256xf32, #tpu.memory_space<vmem>>, vector<1x16x256xf32>,
      %slice3A_76 = vector.extract_strided_slice %dot_general3A_68 {offsets = [0, 256], sizes = [16, 256], strides = [1, 1]} : vector<16x512xf32> to vector<16x256xf32>
      %reshape3A_77 = vector.shape_cast %slice3A_76 : vector<16x256xf32> to vector<1x16x256xf32>
      %mul3A_78 = arith.constant 2 : i32
      %mul3A_79 = arith.muli %add3A_49, %mul3A_78 : i32
      %add3A_80 = arith.constant 1 : i32
      %add3A_81 = arith.addi %mul3A_79, %add3A_80 : i32
      %swap3A_82 = arith.index_cast %add3A_81 : i32 to index
      %swap3A_83 = arith.constant 0 : index
      %swap3A_84 = arith.constant 0 : index
      %swap3A_85 = vector.load %arg2[%swap3A_82, %swap3A_83, %swap3A_84] : memref<32x16x256xf32, #tpu.memory_space<vmem>>, vector<1x16x256xf32>
      tpu.vector_store %arg2[%swap3A_82, %swap3A_83, %swap3A_84], %reshape3A_77 {strides = array<i32>} : memref<32x16x256xf32, #tpu.memory_space<vmem>>, vector<1x16x256xf32>,
      %add3A_86 = arith.constant 4 : i32
      %add3A_87 = arith.addi %add3A_49, %add3A_86 : i32
      %lt3A = arith.constant 16 : i32
      %lt3A_88 = arith.cmpi slt, %add3A_87, %lt3A : i32
      %convert_element_type3A = arith.extui %lt3A_88 : i1 to i32
      %cond3A = arith.constant 0 : i32
      %cond3A_89 = arith.cmpi ne, %convert_element_type3A, %cond3A : i32
      scf.if %cond3A_89 {
        %add3A_249 = arith.constant 4 : i32
        %add3A_250 = arith.addi %add3A_49, %add3A_249 : i32
        %mul3A_251 = arith.constant 512 : i32
        %mul3A_252 = arith.muli %add3A_250, %mul3A_251 : i32
        %dma_start3A_253 = arith.constant 0 : i32
        %dma_start3A_254 = arith.constant 0 : i32
        %dma_start3A_255 = tpu.memref_slice %arg4[%dma_start3A_254] : memref<4x!tpu.dma_semaphore, #tpu.memory_space<semaphore_mem>> -> memref<1x!tpu.dma_semaphore, #tpu.memory_space<semaphore_mem>>
        %dma_start3A_256 = tpu.memref_squeeze %dma_start3A_255 : memref<1x!tpu.dma_semaphore, #tpu.memory_space<semaphore_mem>> -> memref<!tpu.dma_semaphore, #tpu.memory_space<semaphore_mem>>
        %dma_start3A_257 = arith.constant 0 : i32
        %dma_start3A_258 = arith.constant 0 : i32
        %dma_start3A_259 = tpu.memref_slice %arg3[%dma_start3A_253, %dma_start3A_257, %dma_start3A_258] : memref<4x512x2048xf32, #tpu.memory_space<vmem>> -> memref<1x512x2048xf32, #tpu.memory_space<vmem>>
        %dma_start3A_260 = tpu.memref_squeeze %dma_start3A_259 : memref<1x512x2048xf32, #tpu.memory_space<vmem>> -> memref<512x2048xf32, #tpu.memory_space<vmem>>
        %dma_start3A_261 = arith.constant 0 : i32
        %dma_start3A_262 = tpu.memref_slice %arg0[%mul3A_252, %dma_start3A_261] : memref<8192x2048xf32, #tpu.memory_space<any>> -> memref<512x2048xf32, #tpu.memory_space<any>>
        tpu.enqueue_dma source(%dma_start3A_262 : memref<512x2048xf32, #tpu.memory_space<any>>) target(%dma_start3A_260 : memref<512x2048xf32, #tpu.memory_space<vmem>>) target_semaphore(%dma_start3A_256 : memref<!tpu.dma_semaphore, #tpu.memory_space<semaphore_mem>>)
      } else {
      }
      %mul3A_90 = arith.constant 4 : i32
      %mul3A_91 = arith.muli %scan3A_47, %mul3A_90 : i32
      %add3A_92 = arith.constant 1 : i32
      %add3A_93 = arith.addi %mul3A_91, %add3A_92 : i32
      %mul3A_94 = arith.constant 512 : i32
      %mul3A_95 = arith.muli %add3A_93, %mul3A_94 : i32
      %dma_wait3A_96 = arith.constant 1 : i32
      %dma_wait3A_97 = arith.constant 1 : i32
      %dma_wait3A_98 = tpu.memref_slice %arg4[%dma_wait3A_97] : memref<4x!tpu.dma_semaphore, #tpu.memory_space<semaphore_mem>> -> memref<1x!tpu.dma_semaphore, #tpu.memory_space<semaphore_mem>>
      %dma_wait3A_99 = tpu.memref_squeeze %dma_wait3A_98 : memref<1x!tpu.dma_semaphore, #tpu.memory_space<semaphore_mem>> -> memref<!tpu.dma_semaphore, #tpu.memory_space<semaphore_mem>>
      %dma_wait3A_100 = arith.constant 0 : i32
      %dma_wait3A_101 = arith.constant 0 : i32
      %dma_wait3A_102 = tpu.memref_slice %arg3[%dma_wait3A_96, %dma_wait3A_100, %dma_wait3A_101] : memref<4x512x2048xf32, #tpu.memory_space<vmem>> -> memref<1x512x2048xf32, #tpu.memory_space<vmem>>
      %dma_wait3A_103 = tpu.memref_squeeze %dma_wait3A_102 : memref<1x512x2048xf32, #tpu.memory_space<vmem>> -> memref<512x2048xf32, #tpu.memory_space<vmem>>
      %dma_wait3A_104 = arith.constant 0 : i32
      %dma_wait3A_105 = tpu.memref_slice %arg0[%mul3A_95, %dma_wait3A_104] : memref<8192x2048xf32, #tpu.memory_space<any>> -> memref<512x2048xf32, #tpu.memory_space<any>>
      tpu.wait_dma2 semaphore(%dma_wait3A_99 : memref<!tpu.dma_semaphore, #tpu.memory_space<semaphore_mem>>) src(%dma_wait3A_105 : memref<512x2048xf32, #tpu.memory_space<any>>) dst(%dma_wait3A_103 : memref<512x2048xf32, #tpu.memory_space<vmem>>)
      %get3A_106 = arith.constant 0 : index
      %get3A_107 = arith.constant 0 : index
      %get3A_108 = vector.load %arg1[%get3A_106, %get3A_107] : memref<16x2048xf32, #tpu.memory_space<vmem>>, vector<16x2048xf32>
      %get3A_109 = arith.constant 1 : index
      %get3A_110 = arith.constant 0 : index
      %get3A_111 = arith.constant 0 : index
      %get3A_112 = vector.load %arg3[%get3A_109, %get3A_110, %get3A_111] : memref<4x512x2048xf32, #tpu.memory_space<vmem>>, vector<1x512x2048xf32>
      %get3A_113 = vector.shape_cast %get3A_112 : vector<1x512x2048xf32> to vector<512x2048xf32>
      %dot_general3A_114 = arith.constant dense<0.000000e+00> : vector<16x512xf32>
      %dot_general3A_115 = tpu.matmul %get3A_108, %get3A_113, %dot_general3A_114 {dimension_numbers = #tpu.dot_dimension_numbers<[1], [1], [0], [0], [0, 0, 1, 0], [], []>, transpose_lhs_hint = false} : vector<16x2048xf32>, vector<512x2048xf32>, vector<16x512xf32> -> vector<16x512xf32>
      %slice3A_116 = vector.extract_strided_slice %dot_general3A_115 {offsets = [0, 0], sizes = [16, 256], strides = [1, 1]} : vector<16x512xf32> to vector<16x256xf32>
      %reshape3A_117 = vector.shape_cast %slice3A_116 : vector<16x256xf32> to vector<1x16x256xf32>
      %mul3A_118 = arith.constant 2 : i32
      %mul3A_119 = arith.muli %add3A_93, %mul3A_118 : i32
      %add3A_120 = arith.constant 0 : i32
      %add3A_121 = arith.addi %mul3A_119, %add3A_120 : i32
      %swap3A_122 = arith.index_cast %add3A_121 : i32 to index
      %swap3A_123 = arith.constant 0 : index
      %swap3A_124 = arith.constant 0 : index
      %swap3A_125 = vector.load %arg2[%swap3A_122, %swap3A_123, %swap3A_124] : memref<32x16x256xf32, #tpu.memory_space<vmem>>, vector<1x16x256xf32>
      tpu.vector_store %arg2[%swap3A_122, %swap3A_123, %swap3A_124], %reshape3A_117 {strides = array<i32>} : memref<32x16x256xf32, #tpu.memory_space<vmem>>, vector<1x16x256xf32>,
      %slice3A_126 = vector.extract_strided_slice %dot_general3A_115 {offsets = [0, 256], sizes = [16, 256], strides = [1, 1]} : vector<16x512xf32> to vector<16x256xf32>
      %reshape3A_127 = vector.shape_cast %slice3A_126 : vector<16x256xf32> to vector<1x16x256xf32>
      %mul3A_128 = arith.constant 2 : i32
      %mul3A_129 = arith.muli %add3A_93, %mul3A_128 : i32
      %add3A_130 = arith.constant 1 : i32
      %add3A_131 = arith.addi %mul3A_129, %add3A_130 : i32
      %swap3A_132 = arith.index_cast %add3A_131 : i32 to index
      %swap3A_133 = arith.constant 0 : index
      %swap3A_134 = arith.constant 0 : index
      %swap3A_135 = vector.load %arg2[%swap3A_132, %swap3A_133, %swap3A_134] : memref<32x16x256xf32, #tpu.memory_space<vmem>>, vector<1x16x256xf32>
      tpu.vector_store %arg2[%swap3A_132, %swap3A_133, %swap3A_134], %reshape3A_127 {strides = array<i32>} : memref<32x16x256xf32, #tpu.memory_space<vmem>>, vector<1x16x256xf32>,
      %add3A_136 = arith.constant 4 : i32
      %add3A_137 = arith.addi %add3A_93, %add3A_136 : i32
      %lt3A_138 = arith.constant 16 : i32
      %lt3A_139 = arith.cmpi slt, %add3A_137, %lt3A_138 : i32
      %convert_element_type3A_140 = arith.extui %lt3A_139 : i1 to i32
      %cond3A_141 = arith.constant 0 : i32
      %cond3A_142 = arith.cmpi ne, %convert_element_type3A_140, %cond3A_141 : i32
      scf.if %cond3A_142 {
        %add3A_249 = arith.constant 4 : i32
        %add3A_250 = arith.addi %add3A_93, %add3A_249 : i32
        %mul3A_251 = arith.constant 512 : i32
        %mul3A_252 = arith.muli %add3A_250, %mul3A_251 : i32
        %dma_start3A_253 = arith.constant 1 : i32
        %dma_start3A_254 = arith.constant 1 : i32
        %dma_start3A_255 = tpu.memref_slice %arg4[%dma_start3A_254] : memref<4x!tpu.dma_semaphore, #tpu.memory_space<semaphore_mem>> -> memref<1x!tpu.dma_semaphore, #tpu.memory_space<semaphore_mem>>
        %dma_start3A_256 = tpu.memref_squeeze %dma_start3A_255 : memref<1x!tpu.dma_semaphore, #tpu.memory_space<semaphore_mem>> -> memref<!tpu.dma_semaphore, #tpu.memory_space<semaphore_mem>>
        %dma_start3A_257 = arith.constant 0 : i32
        %dma_start3A_258 = arith.constant 0 : i32
        %dma_start3A_259 = tpu.memref_slice %arg3[%dma_start3A_253, %dma_start3A_257, %dma_start3A_258] : memref<4x512x2048xf32, #tpu.memory_space<vmem>> -> memref<1x512x2048xf32, #tpu.memory_space<vmem>>
        %dma_start3A_260 = tpu.memref_squeeze %dma_start3A_259 : memref<1x512x2048xf32, #tpu.memory_space<vmem>> -> memref<512x2048xf32, #tpu.memory_space<vmem>>
        %dma_start3A_261 = arith.constant 0 : i32
        %dma_start3A_262 = tpu.memref_slice %arg0[%mul3A_252, %dma_start3A_261] : memref<8192x2048xf32, #tpu.memory_space<any>> -> memref<512x2048xf32, #tpu.memory_space<any>>
        tpu.enqueue_dma source(%dma_start3A_262 : memref<512x2048xf32, #tpu.memory_space<any>>) target(%dma_start3A_260 : memref<512x2048xf32, #tpu.memory_space<vmem>>) target_semaphore(%dma_start3A_256 : memref<!tpu.dma_semaphore, #tpu.memory_space<semaphore_mem>>)
      } else {
      }
      %mul3A_143 = arith.constant 4 : i32
      %mul3A_144 = arith.muli %scan3A_47, %mul3A_143 : i32
      %add3A_145 = arith.constant 2 : i32
      %add3A_146 = arith.addi %mul3A_144, %add3A_145 : i32
      %mul3A_147 = arith.constant 512 : i32
      %mul3A_148 = arith.muli %add3A_146, %mul3A_147 : i32
      %dma_wait3A_149 = arith.constant 2 : i32
      %dma_wait3A_150 = arith.constant 2 : i32
      %dma_wait3A_151 = tpu.memref_slice %arg4[%dma_wait3A_150] : memref<4x!tpu.dma_semaphore, #tpu.memory_space<semaphore_mem>> -> memref<1x!tpu.dma_semaphore, #tpu.memory_space<semaphore_mem>>
      %dma_wait3A_152 = tpu.memref_squeeze %dma_wait3A_151 : memref<1x!tpu.dma_semaphore, #tpu.memory_space<semaphore_mem>> -> memref<!tpu.dma_semaphore, #tpu.memory_space<semaphore_mem>>
      %dma_wait3A_153 = arith.constant 0 : i32
      %dma_wait3A_154 = arith.constant 0 : i32
      %dma_wait3A_155 = tpu.memref_slice %arg3[%dma_wait3A_149, %dma_wait3A_153, %dma_wait3A_154] : memref<4x512x2048xf32, #tpu.memory_space<vmem>> -> memref<1x512x2048xf32, #tpu.memory_space<vmem>>
      %dma_wait3A_156 = tpu.memref_squeeze %dma_wait3A_155 : memref<1x512x2048xf32, #tpu.memory_space<vmem>> -> memref<512x2048xf32, #tpu.memory_space<vmem>>
      %dma_wait3A_157 = arith.constant 0 : i32
      %dma_wait3A_158 = tpu.memref_slice %arg0[%mul3A_148, %dma_wait3A_157] : memref<8192x2048xf32, #tpu.memory_space<any>> -> memref<512x2048xf32, #tpu.memory_space<any>>
      tpu.wait_dma2 semaphore(%dma_wait3A_152 : memref<!tpu.dma_semaphore, #tpu.memory_space<semaphore_mem>>) src(%dma_wait3A_158 : memref<512x2048xf32, #tpu.memory_space<any>>) dst(%dma_wait3A_156 : memref<512x2048xf32, #tpu.memory_space<vmem>>)
      %get3A_159 = arith.constant 0 : index
      %get3A_160 = arith.constant 0 : index
      %get3A_161 = vector.load %arg1[%get3A_159, %get3A_160] : memref<16x2048xf32, #tpu.memory_space<vmem>>, vector<16x2048xf32>
      %get3A_162 = arith.constant 2 : index
      %get3A_163 = arith.constant 0 : index
      %get3A_164 = arith.constant 0 : index
      %get3A_165 = vector.load %arg3[%get3A_162, %get3A_163, %get3A_164] : memref<4x512x2048xf32, #tpu.memory_space<vmem>>, vector<1x512x2048xf32>
      %get3A_166 = vector.shape_cast %get3A_165 : vector<1x512x2048xf32> to vector<512x2048xf32>
      %dot_general3A_167 = arith.constant dense<0.000000e+00> : vector<16x512xf32>
      %dot_general3A_168 = tpu.matmul %get3A_161, %get3A_166, %dot_general3A_167 {dimension_numbers = #tpu.dot_dimension_numbers<[1], [1], [0], [0], [0, 0, 1, 0], [], []>, transpose_lhs_hint = false} : vector<16x2048xf32>, vector<512x2048xf32>, vector<16x512xf32> -> vector<16x512xf32>
      %slice3A_169 = vector.extract_strided_slice %dot_general3A_168 {offsets = [0, 0], sizes = [16, 256], strides = [1, 1]} : vector<16x512xf32> to vector<16x256xf32>
      %reshape3A_170 = vector.shape_cast %slice3A_169 : vector<16x256xf32> to vector<1x16x256xf32>
      %mul3A_171 = arith.constant 2 : i32
      %mul3A_172 = arith.muli %add3A_146, %mul3A_171 : i32
      %add3A_173 = arith.constant 0 : i32
      %add3A_174 = arith.addi %mul3A_172, %add3A_173 : i32
      %swap3A_175 = arith.index_cast %add3A_174 : i32 to index
      %swap3A_176 = arith.constant 0 : index
      %swap3A_177 = arith.constant 0 : index
      %swap3A_178 = vector.load %arg2[%swap3A_175, %swap3A_176, %swap3A_177] : memref<32x16x256xf32, #tpu.memory_space<vmem>>, vector<1x16x256xf32>
      tpu.vector_store %arg2[%swap3A_175, %swap3A_176, %swap3A_177], %reshape3A_170 {strides = array<i32>} : memref<32x16x256xf32, #tpu.memory_space<vmem>>, vector<1x16x256xf32>,
      %slice3A_179 = vector.extract_strided_slice %dot_general3A_168 {offsets = [0, 256], sizes = [16, 256], strides = [1, 1]} : vector<16x512xf32> to vector<16x256xf32>
      %reshape3A_180 = vector.shape_cast %slice3A_179 : vector<16x256xf32> to vector<1x16x256xf32>
      %mul3A_181 = arith.constant 2 : i32
      %mul3A_182 = arith.muli %add3A_146, %mul3A_181 : i32
      %add3A_183 = arith.constant 1 : i32
      %add3A_184 = arith.addi %mul3A_182, %add3A_183 : i32
      %swap3A_185 = arith.index_cast %add3A_184 : i32 to index
      %swap3A_186 = arith.constant 0 : index
      %swap3A_187 = arith.constant 0 : index
      %swap3A_188 = vector.load %arg2[%swap3A_185, %swap3A_186, %swap3A_187] : memref<32x16x256xf32, #tpu.memory_space<vmem>>, vector<1x16x256xf32>
      tpu.vector_store %arg2[%swap3A_185, %swap3A_186, %swap3A_187], %reshape3A_180 {strides = array<i32>} : memref<32x16x256xf32, #tpu.memory_space<vmem>>, vector<1x16x256xf32>,
      %add3A_189 = arith.constant 4 : i32
      %add3A_190 = arith.addi %add3A_146, %add3A_189 : i32
      %lt3A_191 = arith.constant 16 : i32
      %lt3A_192 = arith.cmpi slt, %add3A_190, %lt3A_191 : i32
      %convert_element_type3A_193 = arith.extui %lt3A_192 : i1 to i32
      %cond3A_194 = arith.constant 0 : i32
      %cond3A_195 = arith.cmpi ne, %convert_element_type3A_193, %cond3A_194 : i32
      scf.if %cond3A_195 {
        %add3A_249 = arith.constant 4 : i32
        %add3A_250 = arith.addi %add3A_146, %add3A_249 : i32
        %mul3A_251 = arith.constant 512 : i32
        %mul3A_252 = arith.muli %add3A_250, %mul3A_251 : i32
        %dma_start3A_253 = arith.constant 2 : i32
        %dma_start3A_254 = arith.constant 2 : i32
        %dma_start3A_255 = tpu.memref_slice %arg4[%dma_start3A_254] : memref<4x!tpu.dma_semaphore, #tpu.memory_space<semaphore_mem>> -> memref<1x!tpu.dma_semaphore, #tpu.memory_space<semaphore_mem>>
        %dma_start3A_256 = tpu.memref_squeeze %dma_start3A_255 : memref<1x!tpu.dma_semaphore, #tpu.memory_space<semaphore_mem>> -> memref<!tpu.dma_semaphore, #tpu.memory_space<semaphore_mem>>
        %dma_start3A_257 = arith.constant 0 : i32
        %dma_start3A_258 = arith.constant 0 : i32
        %dma_start3A_259 = tpu.memref_slice %arg3[%dma_start3A_253, %dma_start3A_257, %dma_start3A_258] : memref<4x512x2048xf32, #tpu.memory_space<vmem>> -> memref<1x512x2048xf32, #tpu.memory_space<vmem>>
        %dma_start3A_260 = tpu.memref_squeeze %dma_start3A_259 : memref<1x512x2048xf32, #tpu.memory_space<vmem>> -> memref<512x2048xf32, #tpu.memory_space<vmem>>
        %dma_start3A_261 = arith.constant 0 : i32
        %dma_start3A_262 = tpu.memref_slice %arg0[%mul3A_252, %dma_start3A_261] : memref<8192x2048xf32, #tpu.memory_space<any>> -> memref<512x2048xf32, #tpu.memory_space<any>>
        tpu.enqueue_dma source(%dma_start3A_262 : memref<512x2048xf32, #tpu.memory_space<any>>) target(%dma_start3A_260 : memref<512x2048xf32, #tpu.memory_space<vmem>>) target_semaphore(%dma_start3A_256 : memref<!tpu.dma_semaphore, #tpu.memory_space<semaphore_mem>>)
      } else {
      }
      %mul3A_196 = arith.constant 4 : i32
      %mul3A_197 = arith.muli %scan3A_47, %mul3A_196 : i32
      %add3A_198 = arith.constant 3 : i32
      %add3A_199 = arith.addi %mul3A_197, %add3A_198 : i32
      %mul3A_200 = arith.constant 512 : i32
      %mul3A_201 = arith.muli %add3A_199, %mul3A_200 : i32
      %dma_wait3A_202 = arith.constant 3 : i32
      %dma_wait3A_203 = arith.constant 3 : i32
      %dma_wait3A_204 = tpu.memref_slice %arg4[%dma_wait3A_203] : memref<4x!tpu.dma_semaphore, #tpu.memory_space<semaphore_mem>> -> memref<1x!tpu.dma_semaphore, #tpu.memory_space<semaphore_mem>>
      %dma_wait3A_205 = tpu.memref_squeeze %dma_wait3A_204 : memref<1x!tpu.dma_semaphore, #tpu.memory_space<semaphore_mem>> -> memref<!tpu.dma_semaphore, #tpu.memory_space<semaphore_mem>>
      %dma_wait3A_206 = arith.constant 0 : i32
      %dma_wait3A_207 = arith.constant 0 : i32
      %dma_wait3A_208 = tpu.memref_slice %arg3[%dma_wait3A_202, %dma_wait3A_206, %dma_wait3A_207] : memref<4x512x2048xf32, #tpu.memory_space<vmem>> -> memref<1x512x2048xf32, #tpu.memory_space<vmem>>
      %dma_wait3A_209 = tpu.memref_squeeze %dma_wait3A_208 : memref<1x512x2048xf32, #tpu.memory_space<vmem>> -> memref<512x2048xf32, #tpu.memory_space<vmem>>
      %dma_wait3A_210 = arith.constant 0 : i32
      %dma_wait3A_211 = tpu.memref_slice %arg0[%mul3A_201, %dma_wait3A_210] : memref<8192x2048xf32, #tpu.memory_space<any>> -> memref<512x2048xf32, #tpu.memory_space<any>>
      tpu.wait_dma2 semaphore(%dma_wait3A_205 : memref<!tpu.dma_semaphore, #tpu.memory_space<semaphore_mem>>) src(%dma_wait3A_211 : memref<512x2048xf32, #tpu.memory_space<any>>) dst(%dma_wait3A_209 : memref<512x2048xf32, #tpu.memory_space<vmem>>)
      %get3A_212 = arith.constant 0 : index
      %get3A_213 = arith.constant 0 : index
      %get3A_214 = vector.load %arg1[%get3A_212, %get3A_213] : memref<16x2048xf32, #tpu.memory_space<vmem>>, vector<16x2048xf32>
      %get3A_215 = arith.constant 3 : index
      %get3A_216 = arith.constant 0 : index
      %get3A_217 = arith.constant 0 : index
      %get3A_218 = vector.load %arg3[%get3A_215, %get3A_216, %get3A_217] : memref<4x512x2048xf32, #tpu.memory_space<vmem>>, vector<1x512x2048xf32>
      %get3A_219 = vector.shape_cast %get3A_218 : vector<1x512x2048xf32> to vector<512x2048xf32>
      %dot_general3A_220 = arith.constant dense<0.000000e+00> : vector<16x512xf32>
      %dot_general3A_221 = tpu.matmul %get3A_214, %get3A_219, %dot_general3A_220 {dimension_numbers = #tpu.dot_dimension_numbers<[1], [1], [0], [0], [0, 0, 1, 0], [], []>, transpose_lhs_hint = false} : vector<16x2048xf32>, vector<512x2048xf32>, vector<16x512xf32> -> vector<16x512xf32>
      %slice3A_222 = vector.extract_strided_slice %dot_general3A_221 {offsets = [0, 0], sizes = [16, 256], strides = [1, 1]} : vector<16x512xf32> to vector<16x256xf32>
      %reshape3A_223 = vector.shape_cast %slice3A_222 : vector<16x256xf32> to vector<1x16x256xf32>
      %mul3A_224 = arith.constant 2 : i32
      %mul3A_225 = arith.muli %add3A_199, %mul3A_224 : i32
      %add3A_226 = arith.constant 0 : i32
      %add3A_227 = arith.addi %mul3A_225, %add3A_226 : i32
      %swap3A_228 = arith.index_cast %add3A_227 : i32 to index
      %swap3A_229 = arith.constant 0 : index
      %swap3A_230 = arith.constant 0 : index
      %swap3A_231 = vector.load %arg2[%swap3A_228, %swap3A_229, %swap3A_230] : memref<32x16x256xf32, #tpu.memory_space<vmem>>, vector<1x16x256xf32>
      tpu.vector_store %arg2[%swap3A_228, %swap3A_229, %swap3A_230], %reshape3A_223 {strides = array<i32>} : memref<32x16x256xf32, #tpu.memory_space<vmem>>, vector<1x16x256xf32>,
      %slice3A_232 = vector.extract_strided_slice %dot_general3A_221 {offsets = [0, 256], sizes = [16, 256], strides = [1, 1]} : vector<16x512xf32> to vector<16x256xf32>
      %reshape3A_233 = vector.shape_cast %slice3A_232 : vector<16x256xf32> to vector<1x16x256xf32>
      %mul3A_234 = arith.constant 2 : i32
      %mul3A_235 = arith.muli %add3A_199, %mul3A_234 : i32
      %add3A_236 = arith.constant 1 : i32
      %add3A_237 = arith.addi %mul3A_235, %add3A_236 : i32
      %swap3A_238 = arith.index_cast %add3A_237 : i32 to index
      %swap3A_239 = arith.constant 0 : index
      %swap3A_240 = arith.constant 0 : index
      %swap3A_241 = vector.load %arg2[%swap3A_238, %swap3A_239, %swap3A_240] : memref<32x16x256xf32, #tpu.memory_space<vmem>>, vector<1x16x256xf32>
      tpu.vector_store %arg2[%swap3A_238, %swap3A_239, %swap3A_240], %reshape3A_233 {strides = array<i32>} : memref<32x16x256xf32, #tpu.memory_space<vmem>>, vector<1x16x256xf32>,
      %add3A_242 = arith.constant 4 : i32
      %add3A_243 = arith.addi %add3A_199, %add3A_242 : i32
      %lt3A_244 = arith.constant 16 : i32
      %lt3A_245 = arith.cmpi slt, %add3A_243, %lt3A_244 : i32
      %convert_element_type3A_246 = arith.extui %lt3A_245 : i1 to i32
      %cond3A_247 = arith.constant 0 : i32
      %cond3A_248 = arith.cmpi ne, %convert_element_type3A_246, %cond3A_247 : i32
      scf.if %cond3A_248 {
        %add3A_249 = arith.constant 4 : i32
        %add3A_250 = arith.addi %add3A_199, %add3A_249 : i32
        %mul3A_251 = arith.constant 512 : i32
        %mul3A_252 = arith.muli %add3A_250, %mul3A_251 : i32
        %dma_start3A_253 = arith.constant 3 : i32
        %dma_start3A_254 = arith.constant 3 : i32
        %dma_start3A_255 = tpu.memref_slice %arg4[%dma_start3A_254] : memref<4x!tpu.dma_semaphore, #tpu.memory_space<semaphore_mem>> -> memref<1x!tpu.dma_semaphore, #tpu.memory_space<semaphore_mem>>
        %dma_start3A_256 = tpu.memref_squeeze %dma_start3A_255 : memref<1x!tpu.dma_semaphore, #tpu.memory_space<semaphore_mem>> -> memref<!tpu.dma_semaphore, #tpu.memory_space<semaphore_mem>>
        %dma_start3A_257 = arith.constant 0 : i32
        %dma_start3A_258 = arith.constant 0 : i32
        %dma_start3A_259 = tpu.memref_slice %arg3[%dma_start3A_253, %dma_start3A_257, %dma_start3A_258] : memref<4x512x2048xf32, #tpu.memory_space<vmem>> -> memref<1x512x2048xf32, #tpu.memory_space<vmem>>
        %dma_start3A_260 = tpu.memref_squeeze %dma_start3A_259 : memref<1x512x2048xf32, #tpu.memory_space<vmem>> -> memref<512x2048xf32, #tpu.memory_space<vmem>>
        %dma_start3A_261 = arith.constant 0 : i32
        %dma_start3A_262 = tpu.memref_slice %arg0[%mul3A_252, %dma_start3A_261] : memref<8192x2048xf32, #tpu.memory_space<any>> -> memref<512x2048xf32, #tpu.memory_space<any>>
        tpu.enqueue_dma source(%dma_start3A_262 : memref<512x2048xf32, #tpu.memory_space<any>>) target(%dma_start3A_260 : memref<512x2048xf32, #tpu.memory_space<vmem>>) target_semaphore(%dma_start3A_256 : memref<!tpu.dma_semaphore, #tpu.memory_space<semaphore_mem>>)
      } else {
      }
    }
    %scan3A_46 = arith.constant 4 : i32
    return
  }
}

</mosaic_0001>

<sc_bundles>
// kernel: kernel.4.cloned.1.call-start
scs
__scs_entry_jumppad:
0x0: {  	(pc) =	sbr.rel $0x88, $3  }
0x1: {  	(tag) =	ssettag $0x0;
	lr =	simm.s32 $0x1  }
0x2: {  	[smem:$0x3F9E] =	sst lr;
	_ =	strace $0xD0000000  }
0x3: {  	_ = 	snop  }
0x4: {  	_ = 	snop  }
0x5: {  	_ = 	snop  }
0x6: {  	_ = 	snop  }
0x7: {  	_ = 	snop  }
__scs_overlays_trampoline_lowered:
0x8: {  	[smem:$0x3FAD] =	sst s0  }
0x9: {  	[smem:$0x3FAE] =	sst s1  }
0xa: {  	[smem:$0x3FAF] =	sst s2  }
0xb: {  	[smem:$0x3FB0] =	sst s3  }
0xc: {  	[smem:$0x3FB1] =	sst s4  }
0xd: {  	[smem:$0x3FB2] =	sst s5  }
0xe: {  	[smem:$0x3FB3] =	sst s6  }
0xf: {  	[smem:$0x3FB4] =	sst s7  }
0x10: {  	[smem:$0x3FB5] =	sst s8  }
0x11: {  	[smem:$0x3FB6] =	sst s9;
	s0 =	simm.s32 @!p0 $0x0  }
0x12: {  	s1 =	sld [smem:$0x3F9C];
	s0 =	simm.s32 @p0 $0x1  }
0x13: {  	[smem:$0x3FB7] =	sst s0;
	s0 =	simm.s32 @!p1 $0x0  }
0x14: {  	s2 =	sld [smem:$0x3F9B];
	s0 =	simm.s32 @p1 $0x1  }
0x15: {  	[smem:$0x3FB8] =	sst s0;
	s0 =	simm.s32 @!p2 $0x0  }
0x16: {  	s3 =	sld [smem:$0x3FDB];
	s0 =	simm.s32 @p2 $0x1  }
0x17: {  	s4 =	simm.s32 $0x1BF5;
	[smem:$0x3FBA] =	sst s0  }
0x18: {  	s0 =	sld [smem:$0x3F9D];
	_ =	swait.ge [sflag:s4], $0x0  }
0x19: {  	s7 =	sld [smem:$0x3F9E]  }
0x1a: {  	s8 =	sadd.s32 $0xFFFFE003, lr  }
0x1b: {  	s9 =	sadd.s32 $0xFFFFFEF7, lr;
	s5 =	simm.s32 $0xFFFFFFFF;
	p2 =	slt.u32 s8, $0xFFFFF086  }
0x1c: {  	p1 =	slt.u32 s9, $0xF7A;
	s5 =	simm.s32 @!p2 $0x0  }
0x1d: {  	s5 =	simm.s32 @p1 $0x1;
	p0 =	seq.s32 s7, s2  }
0x1e: {  	s7 =	smul.u32 @!p0 $0xF7A, s2;
	p2 =	seq.s32 @!p0 s5, $0x0  }
0x1f: {  	s9 =	smul.u32 $0xF7A, s1;
	s8 =	simm.s32 @!p0 $0x1BF5;
	p2 =	por !p2, p0  }
0x20: {  	[sflag:s8] =	ssyncset.s32 @!p0 $0xFFFFF086;
	s6 =	sadd.s32 @!p0 s3, s7;
	s7 =	simm.s32 @!p0 $0x108  }
0x21: {  	s3 =	sadd.s32 s3, s9;
	s6 =	sadd.s32 @!p0 $0x88, s6;
	s7 =	simm.s32 @p2 $0x1082  }
0x22: {  	[simem:s7], [sflag:s8] =	dma.local @!p0 [hbm:s6], $0xF7A  }
0x23: {  	s9 =	sor.u32 $0xD0000000, s2;
	s6 =	simm.s32 $0x108;
	_ =	swait.ge @!p0 [sflag:s8], $0x0  }
0x24: {  	s3 =	sadd.s32 $0x88, s3;
	s6 =	simm.s32 @!p1 $0x1082;
	[sflag:s4] =	ssyncset.s32 $0xFFFFF086  }
0x25: {  	[simem:s6], [sflag:s4] =	dma.local [hbm:s3], $0xF7A  }
0x26: {  	[smem:$0x3F9E] =	sst s1;
	(tag) =	ssettag s2;
	_ =	strace s9  }
0x27: {  	s1 =	sld [smem:$0x3FAE]  }
0x28: {  	s2 =	sld [smem:$0x3FAF]  }
0x29: {  	s4 =	sld [smem:$0x3FB1]  }
0x2a: {  	p0 =	seq.s32 s5, $0x0;
	s5 =	sld [smem:$0x3FB2]  }
0x2b: {  	s6 =	sld [smem:$0x3FB3]  }
0x2c: {  	s7 =	sld [smem:$0x3FB4]  }
0x2d: {  	s3 =	simm.s32 $0x108;
	s8 =	sld [smem:$0x3FB5]  }
0x2e: {  	s3 =	simm.s32 @!p0 $0x1082;
	s9 =	sld [smem:$0x3FB6]  }
0x2f: {  	lr =	sadd.s32 s0, s3;
	s0 =	sld [smem:$0x3FAD]  }
0x30: {  	s3 =	sld [smem:$0x3FB0]  }
0x31: {  	[smem:$0x3FB9] =	sst s10  }
0x32: {  	s10 =	sld [smem:$0x3FB7];
	_ =	sdelay $0x3  }
0x33: {  	p0 =	seq.s32 s10, $0x1;
	s10 =	sld [smem:$0x3FB9];
	_ =	sdelay $0x3  }
0x34: {  	[smem:$0x3FB9] =	sst s10  }
0x35: {  	s10 =	sld [smem:$0x3FB8];
	_ =	sdelay $0x3  }
0x36: {  	p1 =	seq.s32 s10, $0x1;
	s10 =	sld [smem:$0x3FB9];
	_ =	sdelay $0x3  }
0x37: {  	[smem:$0x3FB9] =	sst s10  }
0x38: {  	s10 =	sld [smem:$0x3FBA]  }
0x39: {  	_ = 	snop;
	(pc) =	sbr.ind lr, $3  }
0x3a: {  	_ = 	snop  }
0x3b: {  	_ = 	snop  }
0x3c: {  	p2 =	seq.s32 s10, $0x1;
	s10 =	sld [smem:$0x3FB9]  }
0x3d: {  	_ =	shalt  }
0x3e: {  	_ =	shalt  }
0x3f: {  	_ =	shalt  }
0x40: {  	_ =	shalt  }
0x41: {  	_ =	shalt  }
0x42: {  	_ =	shalt  }
0x43: {  	_ =	shalt  }
0x44: {  	_ =	shalt  }
0x45: {  	_ =	shalt  }
0x46: {  	_ =	shalt  }
0x47: {  	_ =	shalt  }
0x48: {  	_ =	shalt  }
0x49: {  	_ =	shalt  }
0x4a: {  	_ =	shalt  }
0x4b: {  	_ =	shalt  }
0x4c: {  	_ =	shalt  }
0x4d: {  	_ =	shalt  }
0x4e: {  	_ =	shalt  }
0x4f: {  	_ =	shalt  }
0x50: {  	_ =	shalt  }
0x51: {  	_ =	shalt  }
0x52: {  	_ =	shalt  }
0x53: {  	_ =	shalt  }
0x54: {  	_ =	shalt  }
0x55: {  	_ =	shalt  }
0x56: {  	_ =	shalt  }
0x57: {  	_ =	shalt  }
0x58: {  	_ =	shalt  }
0x59: {  	_ =	shalt  }
0x5a: {  	_ =	shalt  }
0x5b: {  	_ =	shalt  }
0x5c: {  	_ =	shalt  }
0x5d: {  	_ =	shalt  }
0x5e: {  	_ =	shalt  }
0x5f: {  	_ =	shalt  }
0x60: {  	_ =	shalt  }
0x61: {  	_ =	shalt  }
0x62: {  	_ =	shalt  }
0x63: {  	_ =	shalt  }
0x64: {  	_ =	shalt  }
0x65: {  	_ =	shalt  }
0x66: {  	_ =	shalt  }
0x67: {  	_ =	shalt  }
0x68: {  	_ =	shalt  }
0x69: {  	_ =	shalt  }
0x6a: {  	_ =	shalt  }
0x6b: {  	_ =	shalt  }
0x6c: {  	_ =	shalt  }
0x6d: {  	_ =	shalt  }
0x6e: {  	_ =	shalt  }
0x6f: {  	_ =	shalt  }
0x70: {  	_ =	shalt  }
0x71: {  	_ =	shalt  }
0x72: {  	_ =	shalt  }
0x73: {  	_ =	shalt  }
0x74: {  	_ =	shalt  }
0x75: {  	_ =	shalt  }
0x76: {  	_ =	shalt  }
0x77: {  	_ =	shalt  }
0x78: {  	_ =	shalt  }
0x79: {  	_ =	shalt  }
0x7a: {  	_ =	shalt  }
0x7b: {  	_ =	shalt  }
0x7c: {  	_ =	shalt  }
0x7d: {  	_ =	shalt  }
0x7e: {  	_ =	shalt  }
0x7f: {  	_ =	shalt  }
0x80: {  	_ =	shalt  }
0x81: {  	_ =	shalt  }
0x82: {  	_ =	shalt  }
0x83: {  	_ =	shalt  }
0x84: {  	_ =	shalt  }
0x85: {  	_ =	shalt  }
0x86: {  	_ =	shalt  }
0x87: {  	_ =	shalt  }
.Lfunc_end0:
.L_simem_size_0:
called_computation_lowered:
.L_overlay_start_0:
0x88: {  	s2 =	sld [smem:$0x3FD9]  }
0x89: {  	s3 =	sld [smem:$0x3FFE];
	_ =	sdelay $0x1  }
0x8a: {  	s1 =	srdreg.scid  }
0x8b: {  	s0 =	sand.u32 $0x1, s1  }
0x8c: {  	s14 =	sshll.u32 s0, $0xA;
	s2 =	sadd.s32 s3, s2  }
0x8d: {  	s2 =	sadd.s32 s2, s14  }
0x8e: {  	[smem:$0x3FC5] =	sst s2  }
0x8f: {  	_ = 	snop  }
0x90: {  	s2 =	sld [smem:$0x3FD0];
	_ =	sdelay $0x2  }
0x91: {  	s4 =	simm.s32 $0xA;
	s5 =	simm.s32 $0x10;
	s15 =	sld [smem:$0x3FC7]  }
0x92: {  	[smem:s5], [sflag:s4] =	dma.local [hbm:s2], $0x1  }
0x93: {  	_ =	swait.eq [sflag:s4], $0x1  }
0x94: {  	[sflag:s4] =	ssyncset.done $0x0  }
0x95: {  	[sflag:s4] =	ssyncadd.s32 $0xFFFFFFFF  }
0x96: {  	s16 =	sld [smem:$0x11];
	(tm) =	ssettm $0x1  }
0x97: {  	s17 =	sld [smem:$0x3FFB];
	_ =	sdelay $0x3  }
0x98: {  	_ =	strace s17  }
0x99: {  	s4 =	sld [smem:$0x3FFC];
	_ =	sdelay $0x3  }
0x9a: {  	_ =	strace s4  }
0x9b: {  	s4 =	sld [smem:$0x3FFD];
	_ =	sdelay $0x3  }
0x9c: {  	_ =	strace s4  }
0x9d: {  	_ =	strace $0x8FFFFFFF  }
0x9e: {  	s18 =	sld [smem:$0x3FDB];
	_ =	sdelay $0x1  }
0x9f: {  	s19 =	simm.s32 $_scs_section_size  }
0xa0: {  	s6 =	simm.s32 $_size__tile_overlayer_lowered;
	s7 =	simm.s32 $_tile_overlayer_lowered  }
0xa1: {  	s22 =	simm.s32 $0x1BFF;
	s21 =	sshll.u32 s7, $0x1;
	s4 =	sadd.s32 s19, s18  }
0xa2: {  	s8 =	simm.s32 $0x0;
	s20 =	sshll.u32 s6, $0x1;
	s6 =	sadd.s32 s21, s4  }
0xa3: {  	[timem:s8], [sflag:s22] =	dma.local [hbm:s6], s20  }
0xa4: {  	_ =	swait.ge [sflag:s22], s20  }
0xa5: {  	s5 =	ssub.s32 $0x0, s20;
	[sflag:s22] =	ssyncset.done $0x0  }
0xa6: {  	[sflag:s22] =	ssyncadd.s32 s5;
	_ =	sdelay $0x1  }
0xa7: {  	s23 =	simm.s32 $0x1B8B  }
0xa8: {  	_ =	swait.ge [sflag:s23], $0x1  }
0xa9: {  	[sflag:s23] =	ssyncset.done $0x0  }
0xaa: {  	s25 =	simm.s32 $0x1B8E;
	s24 =	sld [smem:$0x3FFE];
	[sflag:s23] =	ssyncadd.s32 $0xFFFFFFFF  }
0xab: {  	s26 =	simm.s32 $execute0_lowered;
	[smem:$0x3FD2] =	sst s25  }
0xac: {  	s6 =	sshll.u32 s26, $0x1;
	_ =	strace $0x80000046;
	[dreg:$0x1] =	wrdreg $0xFFFFFFFF  }
0xad: {  	s28 =	simm.s32 $_size_execute0_lowered;
	s4 =	sadd.s32 s4, s6;
	[dreg:$0x0] =	wrdreg $0x0  }
0xae: {  	s6 =	sshll.u32 s28, $0x1;
	[dreg:$0x2] =	wrdreg s4  }
0xaf: {  	[dreg:$0x3] =	wrdreg s6  }
0xb0: {  	[dreg:$0x4] =	wrdreg $0xC0  }
0xb1: {  	_ =	task [dreg:s8], $0x5FFFF  }
0xb2: {  	[dreg:$0x1] =	wrdreg $0xFFFFFFFF  }
0xb3: {  	[dreg:$0x0] =	wrdreg $0x60  }
0xb4: {  	[dreg:$0x2] =	wrdreg s24  }
0xb5: {  	[dreg:$0x3] =	wrdreg s15  }
0xb6: {  	[dreg:$0x4] =	wrdreg s16  }
0xb7: {  	[dreg:$0x5] =	wrdreg $0x9  }
0xb8: {  	_ =	task.clear_ibuf [dreg:s8], $0x6FFFF;
	_ =	strace $0x90000046  }
0xb9: {  	s29 =	simm.s32 $0x9;
	_ =	strace $0x80000048  }
0xba: {  	_ =	swait.ge [sflag:s29], $0x1  }
0xbb: {  	[sflag:s29] =	ssyncadd.s32 $0xFFFFFFFF  }
0xbc: {  	_ =	strace $0x90000048  }
0xbd: {  	_ =	sfence  }
0xbe: {  	s30 =	sld [smem:$0x0];
	_ =	sdelay $0x2  }
0xbf: {  	s31 =	sshll.u32 s1, $0xD;
	s1 =	sshrl.u32 s1, $0x2  }
0xc0: {  	s3 =	sand.u32 $0x4000, s31;
	s1 =	sadd.s32 s1, s30  }
0xc1: {  	s0 =	sor.u32 s3, s0;
	s1 =	sshll.u32 s1, $0x11  }
0xc2: {  	s0 =	sor.u32 s1, s0  }
0xc3: {  	s0 =	sadd.s32 $0x8F2B, s0  }
0xc4: {  	[sflag:s0] =	ssyncadd.remote.s32 $0x1  }
0xc5: {  	_ =	sfence.sel $0xFFFF  }
0xc6: {  	[dreg:$0x0] =	wrdreg $0xFFFFFFFF;
	(pc) =	sbr.abs _section_cstart, $3  }
0xc7: {  	[dreg:$0x1] =	wrdreg $0xFFFFFFFF  }
0xc8: {  	_ =	task.clear_ibuf [dreg:s8], $0x2FFFF;
	_ =	strace $0x9FFFFFFF  }
0xc9: {  	(tm) =	ssettm $0x7FFFFFFF  }
tec
execute0_lowered:
.L_overlay_start_1:
0x0: {  	(tag) =	ssettag $0x1  }
0x1: {  	s4 =	rddreg [dreg:$0x0]  }
0x2: {  	s2 =	rddreg [dreg:$0x1]  }
0x3: {  	s5 =	rddreg [dreg:$0x2]  }
0x4: {  	s0 =	rddreg [dreg:$0x3];
	s6 =	srdreg.scid  }
0x5: {  	s1 =	stileid.u32;
	s3 =	simm.s32 $0x0;
	s11 =	simm.s32 $0x1000  }
0x6: {  	s12 =	simm.s32 $0x1080;
	s13 =	simm.s32 $0x1180;
	s14 =	simm.s32 $0x1280  }
0x7: {  	s15 =	simm.s32 $0x1380;
	s6 =	sand.u32 $0x1, s6;
	s7 =	sshll.u32 s1, $0x1  }
0x8: {  	s16 =	simm.s32 $0x0;
	[smem:$0x7FF] =	sst s3;
	s7 =	sor.u32 s6, s7  }
0x9: {  	_ =	strace $0x80000047;
	s6 =	ssub.s32 $0x2, s6;
	s8 =	sshll.u32 s7, $0x9  }
0xa: {  	s7 =	sshll.u32 s7, $0x5;
	s9 =	sshrl.u32 s6, $0x1;
	s8 =	sadd.s32 s8, s4  }
0xb: {  	s10 =	sadd.s32 s7, s4;
	s9 =	ssub.s32 s6, s9;
	s5 =	sadd.s32 s5, s7  }
0xc: {  	s4 =	sadd.s32 $0xC00, s8;
	s6 =	sadd.s32 $0x4C00, s10;
	s7 =	sadd.s32 $0x5000, s10  }
0xd: {  	v0 =	vimm.s32 $0x0;
	s8 =	sadd.s32 $0x5400, s10;
	s9 =	smax.u32 s9, $0x1;
	s10 =	simm.s32 $0x1  }
.LBB2_1:
0xe: {  	[tilespmem:s3], [sflag:$0x1] =	stream.linear.gather [hbm4b:s4+s3], $0x1000, $0x38;
	[tilespmem:$0x1480] =	vst v63  }
0xf: {  	_ =	swait.ge [sflag:s10], $0x1000  }
0x10: {  	[sflag:s10] =	ssyncset.done $0x0  }
0x11: {  	[sflag:s10] =	ssyncadd.s32 $0xFFFFF000  }
0x12: {  	[tilespmem:s11], [sflag:$0x1] =	stream.linear.gather [hbm4b:s2+s3], $0x80, $0x38;
	[tilespmem:$0x1480] =	vst v63  }
0x13: {  	_ =	swait.ge [sflag:s10], $0x80  }
0x14: {  	[sflag:s10] =	ssyncset.done $0x0  }
0x15: {  	s17 =	sand.u32 $0x70, s3;
	s18 =	sand.u32 $0x400, s3;
	[sflag:s10] =	ssyncadd.s32 $0xFFFFFF80  }
0x16: {  	s17 =	sor.u32 s17, s18;
	v16 =	vld [tilespmem:$0x1000]  }
0x17: {  	v4 =	vld [tilespmem:s17+$0x80]  }
0x18: {  	v5 =	vld [tilespmem:s17+$0x0];
	_ =	sdelay $0x1  }
0x19: {  	v6 =	vld [tilespmem:s17+$0x100]  }
0x1a: {  	v1 =	vbroadcast v16, $0x0;
	v2 =	vbroadcast v16, $0x1  }
0x1b: {  	v7 =	vld [tilespmem:s17+$0x180]  }
0x1c: {  	v3 =	vbroadcast v16, $0x2;
	v23 =	vadd.f32 v4, v2;
	v24 =	vadd.f32 v5, v1  }
0x1d: {  	v8 =	vld [tilespmem:s17+$0x200]  }
0x1e: {  	v4 =	vbroadcast v16, $0x3;
	v25 =	vadd.f32 v6, v3;
	vm0 =	vgt.f32 v23, v24  }
0x1f: {  	v9 =	vld [tilespmem:s17+$0x280];
	v6 =	vsel vm0, v23, v24  }
0x20: {  	v5 =	vbroadcast v16, $0x4;
	v26 =	vadd.f32 v7, v4;
	vm1 =	vgt.f32 v25, v6  }
0x21: {  	v10 =	vld [tilespmem:s17+$0x300];
	v7 =	vsel vm1, v25, v6  }
0x22: {  	v27 =	vadd.f32 v8, v5;
	v6 =	vbroadcast v16, $0x5;
	vm2 =	vgt.f32 v26, v7  }
0x23: {  	v11 =	vld [tilespmem:s17+$0x380];
	v8 =	vsel vm2, v26, v7  }
0x24: {  	v7 =	vbroadcast v16, $0x6;
	v28 =	vadd.f32 v9, v6;
	vm3 =	vgt.f32 v27, v8  }
0x25: {  	v12 =	vld [tilespmem:s17+$0x800];
	v9 =	vsel vm3, v27, v8  }
0x26: {  	v8 =	vbroadcast v16, $0x7;
	v29 =	vadd.f32 v10, v7;
	vm4 =	vgt.f32 v28, v9  }
0x27: {  	v13 =	vld [tilespmem:s17+$0x880];
	v10 =	vsel vm4, v28, v9  }
0x28: {  	v9 =	vbroadcast v16, $0x8;
	v30 =	vadd.f32 v11, v8;
	vm5 =	vgt.f32 v29, v10  }
0x29: {  	v14 =	vld [tilespmem:s17+$0x900];
	v11 =	vsel vm5, v29, v10  }
0x2a: {  	v10 =	vbroadcast v16, $0x9;
	v31 =	vadd.f32 v12, v9;
	vm6 =	vgt.f32 v30, v11  }
0x2b: {  	v15 =	vld [tilespmem:s17+$0x980];
	v17 =	vsel vm6, v30, v11  }
0x2c: {  	v11 =	vbroadcast v16, $0xA;
	v32 =	vadd.f32 v13, v10;
	vm7 =	vgt.f32 v31, v17  }
0x2d: {  	v18 =	vld [tilespmem:s17+$0xA00];
	v12 =	vbroadcast v16, $0xB;
	v13 =	vsel vm0, $0x1, v0;
	v17 =	vsel vm7, v31, v17  }
0x2e: {  	v19 =	vsel vm1, $0x2, v13;
	v33 =	vadd.f32 v14, v11;
	vm14 =	vgt.f32 v32, v17  }
0x2f: {  	v14 =	vsel vm2, $0x3, v19;
	v19 =	vld [tilespmem:s17+$0xA80];
	v17 =	vsel vm14, v32, v17  }
0x30: {  	v34 =	vadd.f32 v15, v12;
	v13 =	vbroadcast v16, $0xC;
	vm15 =	vgt.f32 v33, v17  }
0x31: {  	v21 =	vld [tilespmem:s17+$0xB00];
	v20 =	vsel vm3, $0x4, v14;
	v14 =	vbroadcast v16, $0xD;
	v17 =	vsel vm15, v33, v17  }
0x32: {  	v22 =	vadd.f32 v18, v13;
	v15 =	vsel vm4, $0x5, v20;
	vm8 =	vgt.f32 v34, v17  }
0x33: {  	v35 =	vld [tilespmem:s17+$0xB80];
	v20 =	vsel vm5, $0x6, v15;
	v15 =	vbroadcast v16, $0xE;
	v17 =	vsel vm8, v34, v17  }
0x34: {  	v18 =	vsel vm6, $0x7, v20;
	v20 =	vadd.f32 v19, v14;
	vm9 =	vgt.f32 v22, v17  }
0x35: {  	v16 =	vbroadcast v16, $0xF;
	v18 =	vsel vm7, $0x8, v18;
	v17 =	vsel vm9, v22, v17  }
0x36: {  	v21 =	vadd.f32 v21, v15;
	v18 =	vsel vm14, $0x9, v18;
	vm10 =	vgt.f32 v20, v17  }
0x37: {  	v18 =	vsel vm15, $0xA, v18;
	v17 =	vsel vm10, v20, v17  }
0x38: {  	v19 =	vadd.f32 v35, v16;
	v18 =	vsel vm8, $0xB, v18;
	vm11 =	vgt.f32 v21, v17  }
0x39: {  	v18 =	vsel vm9, $0xC, v18;
	v57 =	vsel vm11, v21, v17  }
0x3a: {  	v18 =	vsel vm10, $0xD, v18;
	vm12 =	vgt.f32 v19, v57  }
0x3b: {  	v17 =	vsel vm11, $0xE, v18;
	v18 =	vsel vm12, v19, v57  }
0x3c: {  	v35 =	vsub.f32 v24, v18  }
0x3d: {  	v17 =	vsel vm12, $0xF, v17;
	v36 =	vsub.f32 v19, v18;
	v37 =	vsub.f32 v25, v18  }
0x3e: {  	vm13 =	veq.s32 v17, $0x0;
	v38 =	vsub.f32 v21, v18;
	v39 =	vsub.f32 v20, v18  }
0x3f: {  	vm14 =	veq.s32 v17, $0x1;
	vm15 =	veq.s32 v17, $0x5;
	vm8 =	veq.s32 v17, $0x4  }
0x40: {  	v59 =	vsub.f32 v31, v18;
	v40 =	vsub.f32 v27, v18;
	vm9 =	veq.s32 v17, $0x2  }
0x41: {  	vm10 =	veq.s32 v17, $0x3;
	v61 =	vsub.f32 v28, v18;
	v43 =	vsub.f32 v22, v18  }
0x42: {  	v44 =	vsub.f32 v30, v18;
	vm11 =	veq.s32 v17, $0x6;
	v47 =	vsub.f32 v29, v18  }
0x43: {  	v53 =	vsub.f32 v32, v18;
	v24 =	vsel vm13, $0xFF800000, v24;
	v58 =	vsel vm14, $0xFF800000, v23  }
0x44: {  	v23 =	vsub.f32 v23, v18;
	v42 =	vsel vm10, $0xFF800000, v26;
	v26 =	vsub.f32 v26, v18  }
0x45: {  	v63 =	vsel vm9, $0xFF800000, v25;
	v45 =	vsel vm8, $0xFF800000, v27;
	v35 =	vmul.f32 $1.442695020e+00, v35  }
0x46: {  	v28 =	vsel vm15, $0xFF800000, v28;
	v49 =	vsel vm11, $0xFF800000, v29;
	v37 =	vmul.f32 $1.442695020e+00, v37  }
0x47: {  	vm13 =	veq.s32 v17, $0x7;
	v60 =	vmul.f32 $1.442695020e+00, v40;
	(erf) = vpow2.f32 v35  }
0x48: {  	vm14 =	veq.s32 v17, $0x8;
	v23 =	vmul.f32 $1.442695020e+00, v23;
	(erf) = vpow2.f32 v37  }
0x49: {  	vm8 =	veq.s32 v17, $0x9;
	vm9 =	veq.s32 v17, $0xA;
	(erf) = vpow2.f32 v60  }
0x4a: {  	vm11 =	veq.s32 v17, $0xB;
	vm0 =	vgt.f32 v24, $-Inf;
	(erf) = vpow2.f32 v23  }
0x4b: {  	v38 =	vmul.f32 $1.442695020e+00, v38;
	v46 =	vmul.f32 $1.442695020e+00, v44;
	v24 =	vnsel vm0, $0xFF800000, v24  }
0x4c: {  	v62 =	vmul.f32 $1.442695020e+00, v61;
	v26 =	vmul.f32 $1.442695020e+00, v26;
	vm7 =	vgt.f32 v58, v24  }
0x4d: {  	v48 =	vmul.f32 $1.442695020e+00, v47;
	v24 =	vsel vm7, v58, v24;
	(erf) = vpow2.f32 v46  }
0x4e: {  	v29 =	vmul.f32 $1.442695020e+00, v36;
	vm12 =	vgt.f32 v63, v24;
	(erf) = vpow2.f32 v26  }
0x4f: {  	v30 =	vsel vm13, $0xFF800000, v30;
	v31 =	vsel vm14, $0xFF800000, v31;
	v23 =	vsel vm12, v63, v24  }
0x50: {  	v57 =	vsel vm8, $0xFF800000, v32;
	v61 =	vsub.f32 v33, v18;
	vm1 =	vgt.f32 v42, v23;
	v50 =	vpop (erf)  }
0x51: {  	v47 =	vmul.f32 $1.442695020e+00, v43;
	v37 =	vmul.f32 $1.442695020e+00, v59;
	v23 =	vsel vm1, v42, v23;
	v51 =	vpop (erf)  }
0x52: {  	vm0 =	veq.s32 v17, $0xC;
	vm15 =	vgt.f32 v45, v23;
	(erf) = vpow2.f32 v62;
	v54 =	vpop (erf)  }
0x53: {  	v22 =	vsel vm0, $0xFF800000, v22;
	v23 =	vsel vm15, v45, v23;
	(erf) = vpow2.f32 v37;
	v55 =	vpop (erf)  }
0x54: {  	vm10 =	vgt.f32 v28, v23;
	(erf) = vpow2.f32 v48;
	v56 =	vadd.f32 v55, v50  }
0x55: {  	v41 =	vsel vm7, $0x1, v0;
	v58 =	vsel vm9, $0xFF800000, v33;
	v23 =	vsel vm10, v28, v23  }
0x56: {  	v52 =	vsel vm12, $0x2, v41;
	vm12 =	vgt.f32 v49, v23;
	v60 =	vpop (erf);
	v24 =	vadd.f32 v56, v51  }
0x57: {  	v59 =	vmul.f32 $1.442695020e+00, v53;
	v63 =	vsel vm11, $0xFF800000, v34;
	v23 =	vsel vm12, v49, v23;
	v62 =	vpop (erf)  }
0x58: {  	v41 =	vsub.f32 v34, v18;
	vm13 =	vgt.f32 v30, v23;
	v24 =	vadd.f32 v24, v62  }
0x59: {  	v42 =	vsel vm1, $0x3, v52;
	v28 =	vmul.f32 $1.442695020e+00, v61;
	v23 =	vsel vm13, v30, v23  }
0x5a: {  	(erf) = vpow2.f32 v59;
	vm14 =	vgt.f32 v31, v23;
	v24 =	vadd.f32 v24, v54  }
0x5b: {  	v26 =	vmul.f32 $1.442695020e+00, v41;
	v46 =	vsel vm15, $0x4, v42;
	v23 =	vsel vm14, v31, v23;
	v44 =	vpop (erf)  }
0x5c: {  	(erf) = vpow2.f32 v28;
	vm2 =	vgt.f32 v57, v23;
	v45 =	vpop (erf);
	v24 =	vadd.f32 v24, v44  }
0x5d: {  	v49 =	vsel vm10, $0x5, v46;
	vm10 =	veq.s32 v17, $0xD;
	v23 =	vsel vm2, v57, v23;
	v48 =	vpop (erf)  }
0x5e: {  	(erf) = vpow2.f32 v26;
	vm15 =	vgt.f32 v58, v23;
	v24 =	vadd.f32 v24, v48  }
0x5f: {  	v20 =	vsel vm10, $0xFF800000, v20;
	v50 =	vmul.f32 $1.442695020e+00, v39;
	v23 =	vsel vm15, v58, v23  }
0x60: {  	(erf) = vpow2.f32 v47;
	vm9 =	vgt.f32 v63, v23;
	v24 =	vadd.f32 v24, v60  }
0x61: {  	v51 =	vsel vm12, $0x6, v49;
	vm12 =	veq.s32 v17, $0xE;
	v23 =	vsel vm9, v63, v23  }
0x62: {  	(erf) = vpow2.f32 v50;
	vm11 =	vgt.f32 v22, v23;
	v24 =	vadd.f32 v24, v45  }
0x63: {  	v25 =	vsel vm13, $0x7, v51;
	v21 =	vsel vm12, $0xFF800000, v21;
	v52 =	vpop (erf);
	v22 =	vsel vm11, v22, v23  }
0x64: {  	(erf) = vpow2.f32 v38;
	vm4 =	vgt.f32 v20, v22;
	v24 =	vadd.f32 v24, v52  }
0x65: {  	vm13 =	veq.s32 v17, $0xF;
	v56 =	vsel vm14, $0x8, v25;
	v53 =	vpop (erf);
	v20 =	vsel vm4, v20, v22  }
0x66: {  	(erf) = vpow2.f32 v29;
	vm14 =	vgt.f32 v21, v20;
	v54 =	vadd.f32 v24, v53  }
0x67: {  	v19 =	vsel vm13, $0xFF800000, v19;
	v57 =	vsel vm2, $0x9, v56;
	v55 =	vpop (erf);
	v20 =	vsel vm14, v21, v20  }
0x68: {  	v23 =	vsel vm15, $0xA, v57;
	vm15 =	vgt.f32 v19, v20;
	v22 =	vadd.f32 v54, v55  }
0x69: {  	v58 =	vpop (erf);
	v19 =	vsel vm15, v19, v20  }
0x6a: {  	v18 =	vsub.f32 v19, v18;
	v21 =	vadd.f32 v22, v58  }
0x6b: {  	v59 =	vsel vm9, $0xB, v23;
	v60 =	vpop (erf)  }
0x6c: {  	v18 =	vmul.f32 $1.442695020e+00, v18;
	v22 =	vsel vm11, $0xC, v59;
	v19 =	vadd.f32 v21, v60  }
0x6d: {  	v62 =	vpop (erf);
	v61 =	vsel vm4, $0xD, v22  }
0x6e: {  	(erf) = vpow2.f32 v18;
	v20 =	vsel vm14, $0xE, v61;
	v19 =	vadd.f32 v19, v62  }
0x6f: {  	s19 =	simm.s32 $0x1390;
	s20 =	simm.s32 $0x0;
	[tilespmem:s12+$0x0] =	vst v17;
	v63 =	vpop (erf);
	v17 =	vsel vm15, $0xF, v20  }
0x70: {  	s21 =	simm.s32 $0x1080;
	s24 =	simm.s32 $0x1180;
	s23 =	simm.s32 $0x1280;
	[tilespmem:s13+$0x0] =	vst v17;
	v17 =	vadd.f32 v19, v63  }
0x71: {  	s22 =	simm.s32 $0x1380;
	s18 =	simm.s32 $0x1290;
	s17 =	simm.s32 $0x10  }
.LBB2_2:
0x72: {  	s20 =	sadd.s32 $0x80, s20;
	s21 =	sadd.s32 $0x10, s21;
	s24 =	sadd.s32 $0x10, s24;
	(erf) = vrcp.f32 v17  }
0x73: {  	p0 =	sne.s32 s17, $0xF0;
	s25 =	smov.u32 s17;
	s17 =	sadd.s32 $0x10, s17  }
0x74: {  	_ =	sdelay $0x2  }
0x75: {  	v17 =	vpop (erf);
	_ =	sdelay $0x3  }
0x76: {  	v18 =	vpop (erf)  }
0x77: {  	[tilespmem:s23+$0x0] =	vst v18;
	v17 =	vmul.f32 v17, v18;
	s23 =	smov.u32 s18;
	_ =	sdelay $0x1  }
0x78: {  	s25 =	sand.u32 $0x70, s25;
	s26 =	sand.u32 $0x400, s20;
	[tilespmem:s22+$0x0] =	vst v17;
	s22 =	smov.u32 s19  }
0x79: {  	s25 =	sor.u32 s25, s26  }
0x7a: {  	v17 =	vld [tilespmem:s25+$0x80]  }
0x7b: {  	v18 =	vld [tilespmem:s25+$0x0];
	_ =	sdelay $0x1  }
0x7c: {  	v19 =	vld [tilespmem:s25+$0x100];
	_ =	sdelay $0x1  }
0x7d: {  	v25 =	vadd.f32 v17, v2;
	v17 =	vld [tilespmem:s25+$0x180]  }
0x7e: {  	v22 =	vadd.f32 v18, v1;
	v18 =	vld [tilespmem:s25+$0x200];
	_ =	sdelay $0x1  }
0x7f: {  	v26 =	vadd.f32 v19, v3;
	v19 =	vld [tilespmem:s25+$0x280];
	vm0 =	vgt.f32 v25, v22  }
0x80: {  	v20 =	vsel vm0, v25, v22  }
0x81: {  	v34 =	vadd.f32 v17, v4;
	vm1 =	vgt.f32 v26, v20  }
0x82: {  	v33 =	vadd.f32 v18, v5;
	v17 =	vld [tilespmem:s25+$0x300];
	v18 =	vsel vm1, v26, v20  }
0x83: {  	vm2 =	vgt.f32 v34, v18  }
0x84: {  	v31 =	vadd.f32 v19, v6;
	v19 =	vld [tilespmem:s25+$0x380];
	v18 =	vsel vm2, v34, v18  }
0x85: {  	vm3 =	vgt.f32 v33, v18  }
0x86: {  	v20 =	vld [tilespmem:s25+$0x800];
	v18 =	vsel vm3, v33, v18  }
0x87: {  	v32 =	vadd.f32 v17, v7;
	vm4 =	vgt.f32 v31, v18  }
0x88: {  	v21 =	vsel vm0, $0x1, v0;
	v17 =	vld [tilespmem:s25+$0x880];
	v18 =	vsel vm4, v31, v18  }
0x89: {  	v27 =	vadd.f32 v19, v8;
	v19 =	vsel vm1, $0x2, v21;
	vm0 =	vgt.f32 v32, v18  }
0x8a: {  	v21 =	vld [tilespmem:s25+$0x900];
	v19 =	vsel vm2, $0x3, v19;
	v18 =	vsel vm0, v32, v18  }
0x8b: {  	v30 =	vadd.f32 v20, v9;
	v19 =	vsel vm3, $0x4, v19;
	vm1 =	vgt.f32 v27, v18  }
0x8c: {  	v20 =	vld [tilespmem:s25+$0x980];
	v19 =	vsel vm4, $0x5, v19;
	v18 =	vsel vm1, v27, v18  }
0x8d: {  	v28 =	vadd.f32 v17, v10;
	v17 =	vsel vm0, $0x6, v19;
	vm0 =	vgt.f32 v30, v18  }
0x8e: {  	v19 =	vld [tilespmem:s25+$0xA00];
	v17 =	vsel vm1, $0x7, v17;
	v18 =	vsel vm0, v30, v18  }
0x8f: {  	v29 =	vadd.f32 v21, v11;
	v17 =	vsel vm0, $0x8, v17;
	vm0 =	vgt.f32 v28, v18  }
0x90: {  	v23 =	vld [tilespmem:s25+$0xA80];
	v17 =	vsel vm0, $0x9, v17;
	v18 =	vsel vm0, v28, v18  }
0x91: {  	v24 =	vadd.f32 v20, v12;
	vm0 =	vgt.f32 v29, v18  }
0x92: {  	v35 =	vld [tilespmem:s25+$0xB00];
	v17 =	vsel vm0, $0xA, v17;
	v18 =	vsel vm0, v29, v18  }
0x93: {  	v21 =	vadd.f32 v19, v13;
	vm0 =	vgt.f32 v24, v18  }
0x94: {  	v36 =	vld [tilespmem:s25+$0xB80];
	v18 =	vsel vm0, v24, v18  }
0x95: {  	v20 =	vadd.f32 v23, v14;
	vm1 =	vgt.f32 v21, v18  }
0x96: {  	v18 =	vsel vm1, v21, v18  }
0x97: {  	v19 =	vadd.f32 v35, v15;
	vm2 =	vgt.f32 v20, v18  }
0x98: {  	v17 =	vsel vm0, $0xB, v17;
	v23 =	vsel vm2, v20, v18  }
0x99: {  	v17 =	vsel vm1, $0xC, v17;
	v18 =	vadd.f32 v36, v16;
	vm0 =	vgt.f32 v19, v23  }
0x9a: {  	v17 =	vsel vm2, $0xD, v17;
	v35 =	vsel vm0, v19, v23  }
0x9b: {  	v17 =	vsel vm0, $0xE, v17;
	vm0 =	vgt.f32 v18, v35  }
0x9c: {  	v23 =	vsel vm0, $0xF, v17;
	v17 =	vsel vm0, v18, v35  }
0x9d: {  	vm0 =	veq.s32 v23, $0x0;
	v35 =	vsub.f32 v22, v17;
	v36 =	vsub.f32 v18, v17;
	[tilespmem:s21+$0x0] =	vst v23  }
0x9e: {  	v38 =	vsub.f32 v19, v17;
	v37 =	vsel vm0, $0xFF800000, v22;
	v22 =	vsub.f32 v26, v17  }
0x9f: {  	v39 =	vsub.f32 v20, v17;
	vm0 =	vgt.f32 v37, $-Inf;
	v35 =	vmul.f32 $1.442695020e+00, v35  }
0xa0: {  	vm1 =	veq.s32 v23, $0x1;
	v40 =	vmul.f32 $1.442695020e+00, v22;
	v22 =	vmul.f32 $1.442695020e+00, v38  }
0xa1: {  	v37 =	vnsel vm0, $0xFF800000, v37;
	vm0 =	veq.s32 v23, $0xC;
	(erf) = vpow2.f32 v35  }
0xa2: {  	v35 =	vsel vm1, $0xFF800000, v25;
	vm1 =	veq.s32 v23, $0x5;
	(erf) = vpow2.f32 v40  }
0xa3: {  	vm3 =	veq.s32 v23, $0x4;
	v38 =	vsub.f32 v30, v17;
	vm2 =	vgt.f32 v35, v37  }
0xa4: {  	v40 =	vsel vm2, $0x1, v0;
	v35 =	vsel vm2, v35, v37;
	v37 =	vsub.f32 v33, v17  }
0xa5: {  	vm4 =	veq.s32 v23, $0x3;
	v41 =	vsub.f32 v31, v17;
	vm2 =	veq.s32 v23, $0x2  }
0xa6: {  	v43 =	vsub.f32 v21, v17;
	v42 =	vsel vm4, $0xFF800000, v34;
	v25 =	vsub.f32 v25, v17  }
0xa7: {  	v34 =	vsub.f32 v34, v17;
	v41 =	vmul.f32 $1.442695020e+00, v41;
	v37 =	vmul.f32 $1.442695020e+00, v37  }
0xa8: {  	v33 =	vsel vm3, $0xFF800000, v33;
	v25 =	vmul.f32 $1.442695020e+00, v25;
	v26 =	vsel vm2, $0xFF800000, v26  }
0xa9: {  	v47 =	vsub.f32 v32, v17;
	v34 =	vmul.f32 $1.442695020e+00, v34;
	vm2 =	veq.s32 v23, $0x6  }
0xaa: {  	v45 =	vsub.f32 v27, v17;
	v31 =	vsel vm1, $0xFF800000, v31;
	vm3 =	vgt.f32 v26, v35;
	v46 =	vpop (erf)  }
0xab: {  	v26 =	vsel vm3, v26, v35;
	v35 =	vmul.f32 $1.442695020e+00, v47;
	v44 =	vpop (erf);
	(erf) = vpow2.f32 v37  }
0xac: {  	v32 =	vsel vm2, $0xFF800000, v32;
	v37 =	vmul.f32 $1.442695020e+00, v45;
	(erf) = vpow2.f32 v25  }
0xad: {  	vm2 =	veq.s32 v23, $0x7;
	vm1 =	vgt.f32 v42, v26;
	v25 =	vmul.f32 $1.442695020e+00, v36  }
0xae: {  	v27 =	vsel vm2, $0xFF800000, v27;
	vm2 =	veq.s32 v23, $0x8;
	v26 =	vsel vm1, v42, v26  }
0xaf: {  	v38 =	vmul.f32 $1.442695020e+00, v38;
	v36 =	vsel vm3, $0x2, v40;
	(erf) = vpow2.f32 v37  }
0xb0: {  	v30 =	vsel vm2, $0xFF800000, v30;
	v37 =	vsub.f32 v28, v17;
	(erf) = vpow2.f32 v34  }
0xb1: {  	vm4 =	veq.s32 v23, $0xA;
	vm2 =	vgt.f32 v33, v26;
	vm3 =	veq.s32 v23, $0x9  }
0xb2: {  	v26 =	vsel vm2, v33, v26;
	v28 =	vsel vm3, $0xFF800000, v28;
	(erf) = vpow2.f32 v41  }
0xb3: {  	v33 =	vsel vm4, $0xFF800000, v29;
	vm3 =	vgt.f32 v31, v26;
	v34 =	vmul.f32 $1.442695020e+00, v37  }
0xb4: {  	v29 =	vsub.f32 v29, v17;
	v26 =	vsel vm3, v31, v26;
	v31 =	vpop (erf);
	(erf) = vpow2.f32 v38  }
0xb5: {  	vm5 =	veq.s32 v23, $0xB;
	vm4 =	vgt.f32 v32, v26;
	v37 =	vpop (erf);
	(erf) = vpow2.f32 v35  }
0xb6: {  	v29 =	vmul.f32 $1.442695020e+00, v29;
	v35 =	vsel vm5, $0xFF800000, v24;
	v37 =	vadd.f32 v37, v46  }
0xb7: {  	v36 =	vsel vm1, $0x3, v36;
	v26 =	vsel vm4, v32, v26;
	(erf) = vpow2.f32 v34  }
0xb8: {  	vm5 =	vgt.f32 v27, v26;
	v24 =	vsub.f32 v24, v17;
	v37 =	vadd.f32 v37, v44;
	v34 =	vpop (erf)  }
0xb9: {  	v36 =	vsel vm2, $0x4, v36;
	v26 =	vsel vm5, v27, v26;
	v27 =	vpop (erf);
	(erf) = vpow2.f32 v29  }
0xba: {  	vm2 =	veq.s32 v23, $0xE;
	v24 =	vmul.f32 $1.442695020e+00, v24;
	v27 =	vadd.f32 v37, v27  }
0xbb: {  	vm1 =	veq.s32 v23, $0xF;
	v29 =	vsel vm3, $0x5, v36;
	vm3 =	vgt.f32 v30, v26;
	v32 =	vpop (erf)  }
0xbc: {  	v26 =	vsel vm3, v30, v26;
	v30 =	vmul.f32 $1.442695020e+00, v43;
	v27 =	vadd.f32 v27, v31  }
0xbd: {  	v29 =	vsel vm4, $0x6, v29;
	vm4 =	vgt.f32 v28, v26;
	v31 =	vmul.f32 $1.442695020e+00, v39;
	v36 =	vpop (erf)  }
0xbe: {  	v21 =	vsel vm0, $0xFF800000, v21;
	v37 =	vadd.f32 v27, v32;
	v32 =	vpop (erf);
	(erf) = vpow2.f32 v24  }
0xbf: {  	v26 =	vsel vm4, v28, v26;
	v24 =	vsel vm5, $0x7, v29  }
0xc0: {  	vm0 =	vgt.f32 v33, v26;
	vm5 =	veq.s32 v23, $0xD;
	v23 =	vadd.f32 v37, v32;
	v27 =	vpop (erf)  }
0xc1: {  	v26 =	vsel vm0, v33, v26;
	v24 =	vsel vm3, $0x8, v24;
	(erf) = vpow2.f32 v30  }
0xc2: {  	vm3 =	vgt.f32 v35, v26;
	v20 =	vsel vm5, $0xFF800000, v20;
	v23 =	vadd.f32 v23, v34;
	v28 =	vpop (erf)  }
0xc3: {  	v24 =	vsel vm4, $0x9, v24;
	v26 =	vsel vm3, v35, v26;
	(erf) = vpow2.f32 v31  }
0xc4: {  	v19 =	vsel vm2, $0xFF800000, v19;
	vm4 =	vgt.f32 v21, v26;
	v23 =	vadd.f32 v23, v36  }
0xc5: {  	v24 =	vsel vm0, $0xA, v24;
	v26 =	vsel vm4, v21, v26;
	(erf) = vpow2.f32 v22  }
0xc6: {  	vm0 =	vgt.f32 v20, v26;
	v22 =	vsel vm3, $0xB, v24;
	v23 =	vadd.f32 v23, v27  }
0xc7: {  	v20 =	vsel vm0, v20, v26;
	v22 =	vsel vm4, $0xC, v22;
	v21 =	vpop (erf);
	(erf) = vpow2.f32 v25  }
0xc8: {  	v24 =	vsel vm0, $0xD, v22;
	vm0 =	vgt.f32 v19, v20;
	v23 =	vadd.f32 v23, v28  }
0xc9: {  	v18 =	vsel vm1, $0xFF800000, v18;
	v19 =	vsel vm0, v19, v20  }
0xca: {  	v20 =	vsel vm0, $0xE, v24;
	vm0 =	vgt.f32 v18, v19;
	v21 =	vadd.f32 v23, v21;
	v22 =	vpop (erf)  }
0xcb: {  	v20 =	vsel vm0, $0xF, v20;
	v23 =	vsel vm0, v18, v19  }
0xcc: {  	v17 =	vsub.f32 v23, v17;
	v21 =	vadd.f32 v21, v22;
	[tilespmem:s24+$0x0] =	vst v20;
	v18 =	vpop (erf);
	_ =	sdelay $0x1  }
0xcd: {  	v17 =	vmul.f32 $1.442695020e+00, v17;
	v18 =	vadd.f32 v21, v18;
	v19 =	vpop (erf)  }
.Ltmp0:
0xce: {  	(pc) =	sbr.rel @p0 .LBB2_2-.Ltmp0, $3  }
0xcf: {  	v18 =	vadd.f32 v18, v19;
	v19 =	vpop (erf);
	(erf) = vpow2.f32 v17;
	_ =	sdelay $0x1  }
0xd0: {  	v17 =	vadd.f32 v18, v19  }
0xd1: {  	s18 =	sadd.s32 $0x10, s18;
	s19 =	sadd.s32 $0x10, s19  }
0xd2: {  	(erf) = vrcp.f32 v17;
	_ =	sdelay $0x7  }
0xd3: {  	v1 =	vpop (erf)  }
0xd4: {  	v2 =	vpop (erf)  }
0xd5: {  	v1 =	vmul.f32 v1, v2  }
0xd6: {  	[tilespmem:s23+$0x0] =	vst v2  }
0xd7: {  	[tilespmem:s22+$0x0] =	vst v1  }
0xd8: {  	[hbm4b:s5+s3] =	stream.linear.scatter [tilespmem:s12], [sflag:$0x1], $0x100, $0x38;
	[tilespmem:$0x1480] =	vst v63  }
0xd9: {  	_ =	swait.ge [sflag:s10], $0x100  }
0xda: {  	[sflag:s10] =	ssyncset.done $0x0  }
0xdb: {  	[sflag:s10] =	ssyncadd.s32 $0xFFFFFF00  }
0xdc: {  	[hbm4b:s6+s3] =	stream.linear.scatter [tilespmem:s13], [sflag:$0x1], $0x100, $0x38;
	[tilespmem:$0x1480] =	vst v63  }
0xdd: {  	_ =	swait.ge [sflag:s10], $0x100  }
0xde: {  	[sflag:s10] =	ssyncset.done $0x0  }
0xdf: {  	[sflag:s10] =	ssyncadd.s32 $0xFFFFFF00  }
0xe0: {  	[hbm4b:s7+s3] =	stream.linear.scatter [tilespmem:s14], [sflag:$0x1], $0x100, $0x38;
	[tilespmem:$0x1480] =	vst v63  }
0xe1: {  	s16 =	sadd.s32 $0x1, s16;
	_ =	swait.ge [sflag:s10], $0x100  }
0xe2: {  	p0 =	sne.s32 s16, s9;
	[sflag:s10] =	ssyncset.done $0x0  }
.Ltmp1:
0xe3: {  	[sflag:s10] =	ssyncadd.s32 $0xFFFFFF00;
	(pc) =	sbr.rel @p0 .LBB2_1-.Ltmp1, $4  }
0xe4: {  	[hbm4b:s8+s3] =	stream.linear.scatter [tilespmem:s15], [sflag:$0x1], $0x100, $0x38;
	[tilespmem:$0x1480] =	vst v63  }
0xe5: {  	_ =	swait.ge [sflag:s10], $0x100  }
0xe6: {  	[sflag:s10] =	ssyncset.done $0x0  }
0xe7: {  	[sflag:s10] =	ssyncadd.s32 $0xFFFFFF00  }
0xe8: {  	_ =	sfence.sel $0x180000  }
0xe9: {  	[bflag:$0x0] =	sbarrier.arrive $0xFFFF  }
0xea: {  	p0 =	sne.s32 s1, $0x0;
	_ =	strace $0x90000047  }
0xeb: {  	s0 =	sadd.s32 @!p0 $0x100000, s0;
	[bflag:$0x2] =	sbarrier.arrive $0xFFFF  }
0xec: {  	[sflag:s0] =	ssyncadd.tile.s32 @!p0 $0x1;
	_ =	shalt  }
.Lfunc_end2:
_tile_overlayer_lowered:
.L_overlay_start_2:
0xed: {  	(tag) =	ssettag $0x2  }
0xee: {  	s0 =	rddreg [dreg:$0x0];
	s2 =	stileid.u32  }
0xef: {  	s1 =	rddreg [dreg:$0x1];
	p0 =	sne.s32 s2, $0x0  }
0xf0: {  	s3 =	rddreg [dreg:$0x2];
	[bflag:$0x3] =	sbarrier.arrive $0xFFFF;
	s2 =	simm.s32 @!p0 $0x1C01  }
0xf1: {  	[timem:s3], [sflag:s2] =	dma.local @!p0 [hbm:s0], s1  }
0xf2: {  	s0 =	simm.s32 @!p0 $0x1  }
0xf3: {  	_ =	swait.ge @!p0 [sflag:s0], s1  }
0xf4: {  	s1 =	ssub.s32 @!p0 $0x0, s1;
	[sflag:s0] =	ssyncset.done @!p0 $0x0  }
0xf5: {  	[sflag:s0] =	ssyncadd.s32 @!p0 s1  }
0xf6: {  	[bflag:$0x3] =	sbarrier.arrive $0xFFFF  }
0xf7: {  	_ =	shalt  }

</sc_bundles>
